<compile_context>
chip_gen: v7x
topology: tpu7x:2x2x1
jax: 0.10.2.dev20260603
libtpu: 0.0.44.dev20260713+nightly
codegen_flags: <defaults>
</compile_context>

<pallas_src>
import functools

import jax
import jax.numpy as jnp
from jax import lax
from jax.experimental import pallas as pl
from jax.experimental.pallas import tpu as pltpu
from jax.experimental.pallas import tpu_sc as plsc

L_TOTAL = 1048576
NUM_VALUES = 21
NC = 2
NS = 16
NW = NC * NS
LANES = 16
CHUNK_P = 1024
NG = CHUNK_P // LANES
NBUF = 2

SC_L = 720896
CH = SC_L // NW
NCHUNK = CH // CHUNK_P

TC_L = L_TOTAL - SC_L
TC_BC = 8192
TC_NB = TC_L // TC_BC
SEQ_NB = L_TOTAL // TC_BC


def _tile_body(seq_hbm, table_hbm, out_i_hbm, tbufs, sbufs, tsems, ssems):
    wid = lax.axis_index("s") * NC + lax.axis_index("c")
    pos_base = wid * CH

    def make_copies(c, b):
        col0 = pos_base + c * CHUNK_P
        tcopy = pltpu.make_async_copy(
            table_hbm.at[:, pl.ds(col0, CHUNK_P)], tbufs[b], tsems[b])
        scopy = pltpu.make_async_copy(
            seq_hbm.at[pl.ds(col0, CHUNK_P)], sbufs[b], ssems[b])
        return tcopy, scopy

    for b in range(NBUF):
        for cp in make_copies(b, b):
            cp.start()

    lane = lax.iota(jnp.int32, LANES)

    def outer(k, acc):
        for b in range(NBUF):
            c = k * NBUF + b
            for cp in make_copies(c, b):
                cp.wait()
            tb = tbufs[b]
            sb = sbufs[b]

            def group(g, a, tb=tb, sb=sb):
                s = sb[pl.ds(g * LANES, LANES)]
                c_local = g * LANES + lane
                return a + plsc.load_gather(tb, [s, c_local])

            acc = lax.fori_loop(0, NG, group, acc, unroll=8)

            @pl.when(c + NBUF < NCHUNK)
            def _refill(c=c, b=b):
                for cp in make_copies(c + NBUF, b):
                    cp.start()
        return acc

    acc = lax.fori_loop(0, NCHUNK // NBUF, outer,
                        jnp.zeros((LANES,), jnp.float32))

    sbufs[0][pl.ds(0, LANES)] = lax.bitcast_convert_type(acc, jnp.int32)
    pltpu.sync_copy(sbufs[0].at[pl.ds(0, LANES)],
                    out_i_hbm.at[pl.ds(wid * LANES, LANES)])


@functools.partial(
    pl.kernel,
    out_type=jax.ShapeDtypeStruct((NW * LANES,), jnp.int32),
    mesh=plsc.VectorSubcoreMesh(core_axis_name="c", subcore_axis_name="s"),
    compiler_params=pltpu.CompilerParams(needs_layout_passes=False),
    scratch_types=[
        [pltpu.VMEM((NUM_VALUES, CHUNK_P), jnp.float32)] * NBUF,
        [pltpu.VMEM((CHUNK_P,), jnp.int32)] * NBUF,
        [pltpu.SemaphoreType.DMA] * NBUF,
        [pltpu.SemaphoreType.DMA] * NBUF,
    ],
)
def _gather_sum_sc(seq_hbm, table_hbm, out_i_hbm,
                   tbufs, sbufs, tsems, ssems):
    _tile_body(seq_hbm, table_hbm, out_i_hbm, tbufs, sbufs, tsems, ssems)


def _tc_body(seq_ref, tbl_ref, out_ref):
    j = pl.program_id(0)
    data = tbl_ref[...]
    s = seq_ref[0, 0, :]
    rows = lax.broadcasted_iota(jnp.int32, (NUM_VALUES, TC_BC), 0)
    sel = jnp.where(rows == s[None, :], data, 0.0)
    colsum = jnp.sum(sel, axis=0)
    partial = jnp.sum(colsum.reshape(TC_BC // 128, 128), axis=0)

    @pl.when(j == 0)
    def _init():
        out_ref[0, 0, :] = partial

    @pl.when(j != 0)
    def _accum():
        out_ref[0, 0, :] += partial


_tc_sum = pl.pallas_call(
    _tc_body,
    grid=(TC_NB,),
    in_specs=[
        pl.BlockSpec((1, 1, TC_BC), lambda j: (SC_L // TC_BC + j, 0, 0)),
        pl.BlockSpec((NUM_VALUES, TC_BC), lambda j: (0, SC_L // TC_BC + j)),
    ],
    out_specs=pl.BlockSpec((1, 1, 128), lambda j: (0, 0, 0)),
    out_shape=jax.ShapeDtypeStruct((1, 1, 128), jnp.float32),
)


def kernel(sequence, site_probabilities):
    table_t = site_probabilities.T
    seq = sequence.astype(jnp.int32)
    sc_partials = _gather_sum_sc(seq, table_t)
    tc_partials = _tc_sum(seq.reshape(SEQ_NB, 1, TC_BC), table_t)
    total = (jnp.sum(lax.bitcast_convert_type(sc_partials, jnp.float32))
             + jnp.sum(tc_partials))
    return -total

# --- scband reference (transcript-rebuilt; emitter-appended) ---
"""Pipeline reference for scband-site-independent-model-9405978378796 (READ-ONLY COPY).

The authoritative reference and input builder live on the scoring server;
editing this copy changes nothing except your own understanding.
"""

import jax, jax.numpy as jnp
import numpy as np

L = 1048576
NUM_VALUES = 21
BETA = 1

def setup_inputs(seed: int = 0) -> dict:
    key = jax.random.key(seed)
    k_seq, k_tab = jax.random.split(key)
    sequence = jax.random.randint(k_seq, (L,), 0, NUM_VALUES, dtype=jnp.int64 if jax.config.jax_enable_x64 else jnp.int32)
    # Fitted site probabilities: normalized per-site distribution, stored as log(p + 1e-9)
    logits = jax.random.normal(k_tab, (L, NUM_VALUES), dtype=jnp.float32)
    probs = jax.nn.softmax(logits, axis=-1)
    site_probabilities = jnp.log(probs + 1e-9)
    return {"sequence": sequence, "site_probabilities": site_probabilities}

def reference(sequence, site_probabilities):
    # gather per-position log prob of the observed value
    pos = jnp.arange(sequence.shape[0])
    sequence_log_probs = site_probabilities[pos, sequence]
    log_probability = sequence_log_probs.sum() * BETA
    return -log_probability

if __name__ == "__main__":
    import jax
    _d = setup_inputs()
    print(jax.jit(kernel)(*tuple(_d.values())))

</pallas_src>

<mosaic_0001>
#map = affine_map<(d0, d1) -> (0)>
#map1 = affine_map<(d0, d1) -> (0, 0)>
module attributes {stable_mosaic.version = 14 : i64} {
  func.func @_gather_sum_sc(%arg0: i32, %arg1: i32, %arg2: memref<1048576xi32, #tpu.memory_space<hbm>>, %arg3: memref<21x1048576xf32, #tpu.memory_space<hbm>>, %arg4: memref<512xi32, #tpu.memory_space<hbm>>, %arg5: memref<21x1024xf32, #tpu.memory_space<vmem>>, %arg6: memref<21x1024xf32, #tpu.memory_space<vmem>>, %arg7: memref<1024xi32, #tpu.memory_space<vmem>>, %arg8: memref<1024xi32, #tpu.memory_space<vmem>>, %arg9: memref<!tpu.dma_semaphore, #tpu.memory_space<semaphore_mem>>, %arg10: memref<!tpu.dma_semaphore, #tpu.memory_space<semaphore_mem>>, %arg11: memref<!tpu.dma_semaphore, #tpu.memory_space<semaphore_mem>>, %arg12: memref<!tpu.dma_semaphore, #tpu.memory_space<semaphore_mem>>) attributes {dimension_semantics = [#tpu.dimension_semantics<core_parallel>, #tpu.dimension_semantics<subcore_parallel>], iteration_bounds = array<i64: 2, 16>, scalar_prefetch = 0 : i64, scratch_operands = 8 : i64, tpu.core_type = #tpu.core_type<sc_vector_subcore>, window_params = [{transform_indices = #map}, {transform_indices = #map1}, {transform_indices = #map}]} {
    %mul3A = arith.constant 2 : i32
    %mul3A_0 = arith.muli %arg1, %mul3A : i32
    %add3A = arith.addi %mul3A_0, %arg0 : i32
    %mul3A_1 = arith.constant 22528 : i32
    %mul3A_2 = arith.muli %add3A, %mul3A_1 : i32
    %add3A_3 = arith.constant 0 : i32
    %add3A_4 = arith.addi %mul3A_2, %add3A_3 : i32
    %dma_start3A = arith.constant 0 : i32
    %dma_start3A_5 = tpu.memref_slice %arg3[%dma_start3A, %add3A_4] : memref<21x1048576xf32, #tpu.memory_space<hbm>> -> memref<21x1024xf32, #tpu.memory_space<hbm>>
    %dma_start3A_6 = arith.constant 0 : i32
    %dma_start3A_7 = tpu.memref_slice %arg3[%dma_start3A_6, %add3A_4] : memref<21x1048576xf32, #tpu.memory_space<hbm>> -> memref<21x1024xf32, #tpu.memory_space<hbm>>
    tpu.enqueue_dma source(%dma_start3A_7 : memref<21x1024xf32, #tpu.memory_space<hbm>>) target(%arg5 : memref<21x1024xf32, #tpu.memory_space<vmem>>) target_semaphore(%arg9 : memref<!tpu.dma_semaphore, #tpu.memory_space<semaphore_mem>>)
    %dma_start3A_8 = tpu.memref_slice %arg2[%add3A_4] : memref<1048576xi32, #tpu.memory_space<hbm>> -> memref<1024xi32, #tpu.memory_space<hbm>>
    %dma_start3A_9 = tpu.memref_slice %arg2[%add3A_4] : memref<1048576xi32, #tpu.memory_space<hbm>> -> memref<1024xi32, #tpu.memory_space<hbm>>
    tpu.enqueue_dma source(%dma_start3A_9 : memref<1024xi32, #tpu.memory_space<hbm>>) target(%arg7 : memref<1024xi32, #tpu.memory_space<vmem>>) target_semaphore(%arg11 : memref<!tpu.dma_semaphore, #tpu.memory_space<semaphore_mem>>)
    %add3A_10 = arith.constant 1024 : i32
    %add3A_11 = arith.addi %mul3A_2, %add3A_10 : i32
    %dma_start3A_12 = arith.constant 0 : i32
    %dma_start3A_13 = tpu.memref_slice %arg3[%dma_start3A_12, %add3A_11] : memref<21x1048576xf32, #tpu.memory_space<hbm>> -> memref<21x1024xf32, #tpu.memory_space<hbm>>
    %dma_start3A_14 = arith.constant 0 : i32
    %dma_start3A_15 = tpu.memref_slice %arg3[%dma_start3A_14, %add3A_11] : memref<21x1048576xf32, #tpu.memory_space<hbm>> -> memref<21x1024xf32, #tpu.memory_space<hbm>>
    tpu.enqueue_dma source(%dma_start3A_15 : memref<21x1024xf32, #tpu.memory_space<hbm>>) target(%arg6 : memref<21x1024xf32, #tpu.memory_space<vmem>>) target_semaphore(%arg10 : memref<!tpu.dma_semaphore, #tpu.memory_space<semaphore_mem>>)
    %dma_start3A_16 = tpu.memref_slice %arg2[%add3A_11] : memref<1048576xi32, #tpu.memory_space<hbm>> -> memref<1024xi32, #tpu.memory_space<hbm>>
    %dma_start3A_17 = tpu.memref_slice %arg2[%add3A_11] : memref<1048576xi32, #tpu.memory_space<hbm>> -> memref<1024xi32, #tpu.memory_space<hbm>>
    tpu.enqueue_dma source(%dma_start3A_17 : memref<1024xi32, #tpu.memory_space<hbm>>) target(%arg8 : memref<1024xi32, #tpu.memory_space<vmem>>) target_semaphore(%arg12 : memref<!tpu.dma_semaphore, #tpu.memory_space<semaphore_mem>>)
    %iota3A = tpu.iota {dimensions = array<i32: 0>} : vector<16xi32>
    %broadcast_in_dim3A = arith.constant 0.000000e+00 : f32
    %broadcast_in_dim3A_18 = vector.broadcast %broadcast_in_dim3A : f32 to vector<16xf32>
    %scan3A = arith.constant 0 : i32
    %scan3A_19 = arith.constant 11 : i32
    %scan3A_20 = arith.addi %scan3A, %scan3A_19 : i32
    %scan3A_21 = arith.constant 1 : i32
    %scan3A_22 = scf.for %scan3A_27 = %scan3A to %scan3A_20 step %scan3A_21 iter_args(%scan3A_28 = %broadcast_in_dim3A_18) -> (vector<16xf32>)  : i32 {
      %mul3A_29 = arith.constant 2 : i32
      %mul3A_30 = arith.muli %scan3A_27, %mul3A_29 : i32
      %add3A_31 = arith.constant 0 : i32
      %add3A_32 = arith.addi %mul3A_30, %add3A_31 : i32
      %mul3A_33 = arith.constant 1024 : i32
      %mul3A_34 = arith.muli %add3A_32, %mul3A_33 : i32
      %add3A_35 = arith.addi %mul3A_2, %mul3A_34 : i32
      %dma_wait3A = arith.constant 0 : i32
      %dma_wait3A_36 = tpu.memref_slice %arg3[%dma_wait3A, %add3A_35] : memref<21x1048576xf32, #tpu.memory_space<hbm>> -> memref<21x1024xf32, #tpu.memory_space<hbm>>
      %dma_wait3A_37 = arith.constant 0 : i32
      %dma_wait3A_38 = tpu.memref_slice %arg3[%dma_wait3A_37, %add3A_35] : memref<21x1048576xf32, #tpu.memory_space<hbm>> -> memref<21x1024xf32, #tpu.memory_space<hbm>>
      tpu.wait_dma2 semaphore(%arg9 : memref<!tpu.dma_semaphore, #tpu.memory_space<semaphore_mem>>) src(%dma_wait3A_38 : memref<21x1024xf32, #tpu.memory_space<hbm>>) dst(%arg5 : memref<21x1024xf32, #tpu.memory_space<vmem>>)
      %dma_wait3A_39 = tpu.memref_slice %arg2[%add3A_35] : memref<1048576xi32, #tpu.memory_space<hbm>> -> memref<1024xi32, #tpu.memory_space<hbm>>
      %dma_wait3A_40 = tpu.memref_slice %arg2[%add3A_35] : memref<1048576xi32, #tpu.memory_space<hbm>> -> memref<1024xi32, #tpu.memory_space<hbm>>
      tpu.wait_dma2 semaphore(%arg11 : memref<!tpu.dma_semaphore, #tpu.memory_space<semaphore_mem>>) src(%dma_wait3A_40 : memref<1024xi32, #tpu.memory_space<hbm>>) dst(%arg7 : memref<1024xi32, #tpu.memory_space<vmem>>)
      %scan3A_41 = arith.constant 0 : i32
      %scan3A_42 = arith.constant 64 : i32
      %scan3A_43 = arith.addi %scan3A_41, %scan3A_42 : i32
      %scan3A_44 = arith.constant 8 : i32
      %scan3A_45 = scf.for %scan3A_77 = %scan3A_41 to %scan3A_43 step %scan3A_44 iter_args(%scan3A_78 = %scan3A_28) -> (vector<16xf32>)  : i32 {
        %mul3A_79 = arith.constant 16 : i32
        %mul3A_80 = arith.muli %scan3A_77, %mul3A_79 : i32
        %get3A = arith.index_cast %mul3A_80 : i32 to index
        %get3A_81 = tpu.vector_load %arg7[%get3A] {strides = array<i32>} : memref<1024xi32, #tpu.memory_space<vmem>>, vector<16xi32>,
        %mul3A_82 = arith.constant 16 : i32
        %mul3A_83 = arith.muli %scan3A_77, %mul3A_82 : i32
        %add3A_84 = vector.broadcast %mul3A_83 : i32 to vector<16xi32>
        %add3A_85 = arith.addi %add3A_84, %iota3A : vector<16xi32>
        %gather3A = tpu.vector_load_idx %arg5[%get3A_81, %add3A_85] : memref<21x1024xf32, #tpu.memory_space<vmem>>[vector<16xi32>, vector<16xi32>], vector<16xf32>,
        %add3A_86 = arith.addf %scan3A_78, %gather3A : vector<16xf32>
        %scan3A_87 = arith.constant 1 : i32
        %scan3A_88 = arith.addi %scan3A_77, %scan3A_87 : i32
        %mul3A_89 = arith.constant 16 : i32
        %mul3A_90 = arith.muli %scan3A_88, %mul3A_89 : i32
        %get3A_91 = arith.index_cast %mul3A_90 : i32 to index
        %get3A_92 = tpu.vector_load %arg7[%get3A_91] {strides = array<i32>} : memref<1024xi32, #tpu.memory_space<vmem>>, vector<16xi32>,
        %mul3A_93 = arith.constant 16 : i32
        %mul3A_94 = arith.muli %scan3A_88, %mul3A_93 : i32
        %add3A_95 = vector.broadcast %mul3A_94 : i32 to vector<16xi32>
        %add3A_96 = arith.addi %add3A_95, %iota3A : vector<16xi32>
        %gather3A_97 = tpu.vector_load_idx %arg5[%get3A_92, %add3A_96] : memref<21x1024xf32, #tpu.memory_space<vmem>>[vector<16xi32>, vector<16xi32>], vector<16xf32>,
        %add3A_98 = arith.addf %add3A_86, %gather3A_97 : vector<16xf32>
        %scan3A_99 = arith.constant 2 : i32
        %scan3A_100 = arith.addi %scan3A_77, %scan3A_99 : i32
        %mul3A_101 = arith.constant 16 : i32
        %mul3A_102 = arith.muli %scan3A_100, %mul3A_101 : i32
        %get3A_103 = arith.index_cast %mul3A_102 : i32 to index
        %get3A_104 = tpu.vector_load %arg7[%get3A_103] {strides = array<i32>} : memref<1024xi32, #tpu.memory_space<vmem>>, vector<16xi32>,
        %mul3A_105 = arith.constant 16 : i32
        %mul3A_106 = arith.muli %scan3A_100, %mul3A_105 : i32
        %add3A_107 = vector.broadcast %mul3A_106 : i32 to vector<16xi32>
        %add3A_108 = arith.addi %add3A_107, %iota3A : vector<16xi32>
        %gather3A_109 = tpu.vector_load_idx %arg5[%get3A_104, %add3A_108] : memref<21x1024xf32, #tpu.memory_space<vmem>>[vector<16xi32>, vector<16xi32>], vector<16xf32>,
        %add3A_110 = arith.addf %add3A_98, %gather3A_109 : vector<16xf32>
        %scan3A_111 = arith.constant 3 : i32
        %scan3A_112 = arith.addi %scan3A_77, %scan3A_111 : i32
        %mul3A_113 = arith.constant 16 : i32
        %mul3A_114 = arith.muli %scan3A_112, %mul3A_113 : i32
        %get3A_115 = arith.index_cast %mul3A_114 : i32 to index
        %get3A_116 = tpu.vector_load %arg7[%get3A_115] {strides = array<i32>} : memref<1024xi32, #tpu.memory_space<vmem>>, vector<16xi32>,
        %mul3A_117 = arith.constant 16 : i32
        %mul3A_118 = arith.muli %scan3A_112, %mul3A_117 : i32
        %add3A_119 = vector.broadcast %mul3A_118 : i32 to vector<16xi32>
        %add3A_120 = arith.addi %add3A_119, %iota3A : vector<16xi32>
        %gather3A_121 = tpu.vector_load_idx %arg5[%get3A_116, %add3A_120] : memref<21x1024xf32, #tpu.memory_space<vmem>>[vector<16xi32>, vector<16xi32>], vector<16xf32>,
        %add3A_122 = arith.addf %add3A_110, %gather3A_121 : vector<16xf32>
        %scan3A_123 = arith.constant 4 : i32
        %scan3A_124 = arith.addi %scan3A_77, %scan3A_123 : i32
        %mul3A_125 = arith.constant 16 : i32
        %mul3A_126 = arith.muli %scan3A_124, %mul3A_125 : i32
        %get3A_127 = arith.index_cast %mul3A_126 : i32 to index
        %get3A_128 = tpu.vector_load %arg7[%get3A_127] {strides = array<i32>} : memref<1024xi32, #tpu.memory_space<vmem>>, vector<16xi32>,
        %mul3A_129 = arith.constant 16 : i32
        %mul3A_130 = arith.muli %scan3A_124, %mul3A_129 : i32
        %add3A_131 = vector.broadcast %mul3A_130 : i32 to vector<16xi32>
        %add3A_132 = arith.addi %add3A_131, %iota3A : vector<16xi32>
        %gather3A_133 = tpu.vector_load_idx %arg5[%get3A_128, %add3A_132] : memref<21x1024xf32, #tpu.memory_space<vmem>>[vector<16xi32>, vector<16xi32>], vector<16xf32>,
        %add3A_134 = arith.addf %add3A_122, %gather3A_133 : vector<16xf32>
        %scan3A_135 = arith.constant 5 : i32
        %scan3A_136 = arith.addi %scan3A_77, %scan3A_135 : i32
        %mul3A_137 = arith.constant 16 : i32
        %mul3A_138 = arith.muli %scan3A_136, %mul3A_137 : i32
        %get3A_139 = arith.index_cast %mul3A_138 : i32 to index
        %get3A_140 = tpu.vector_load %arg7[%get3A_139] {strides = array<i32>} : memref<1024xi32, #tpu.memory_space<vmem>>, vector<16xi32>,
        %mul3A_141 = arith.constant 16 : i32
        %mul3A_142 = arith.muli %scan3A_136, %mul3A_141 : i32
        %add3A_143 = vector.broadcast %mul3A_142 : i32 to vector<16xi32>
        %add3A_144 = arith.addi %add3A_143, %iota3A : vector<16xi32>
        %gather3A_145 = tpu.vector_load_idx %arg5[%get3A_140, %add3A_144] : memref<21x1024xf32, #tpu.memory_space<vmem>>[vector<16xi32>, vector<16xi32>], vector<16xf32>,
        %add3A_146 = arith.addf %add3A_134, %gather3A_145 : vector<16xf32>
        %scan3A_147 = arith.constant 6 : i32
        %scan3A_148 = arith.addi %scan3A_77, %scan3A_147 : i32
        %mul3A_149 = arith.constant 16 : i32
        %mul3A_150 = arith.muli %scan3A_148, %mul3A_149 : i32
        %get3A_151 = arith.index_cast %mul3A_150 : i32 to index
        %get3A_152 = tpu.vector_load %arg7[%get3A_151] {strides = array<i32>} : memref<1024xi32, #tpu.memory_space<vmem>>, vector<16xi32>,
        %mul3A_153 = arith.constant 16 : i32
        %mul3A_154 = arith.muli %scan3A_148, %mul3A_153 : i32
        %add3A_155 = vector.broadcast %mul3A_154 : i32 to vector<16xi32>
        %add3A_156 = arith.addi %add3A_155, %iota3A : vector<16xi32>
        %gather3A_157 = tpu.vector_load_idx %arg5[%get3A_152, %add3A_156] : memref<21x1024xf32, #tpu.memory_space<vmem>>[vector<16xi32>, vector<16xi32>], vector<16xf32>,
        %add3A_158 = arith.addf %add3A_146, %gather3A_157 : vector<16xf32>
        %scan3A_159 = arith.constant 7 : i32
        %scan3A_160 = arith.addi %scan3A_77, %scan3A_159 : i32
        %mul3A_161 = arith.constant 16 : i32
        %mul3A_162 = arith.muli %scan3A_160, %mul3A_161 : i32
        %get3A_163 = arith.index_cast %mul3A_162 : i32 to index
        %get3A_164 = tpu.vector_load %arg7[%get3A_163] {strides = array<i32>} : memref<1024xi32, #tpu.memory_space<vmem>>, vector<16xi32>,
        %mul3A_165 = arith.constant 16 : i32
        %mul3A_166 = arith.muli %scan3A_160, %mul3A_165 : i32
        %add3A_167 = vector.broadcast %mul3A_166 : i32 to vector<16xi32>
        %add3A_168 = arith.addi %add3A_167, %iota3A : vector<16xi32>
        %gather3A_169 = tpu.vector_load_idx %arg5[%get3A_164, %add3A_168] : memref<21x1024xf32, #tpu.memory_space<vmem>>[vector<16xi32>, vector<16xi32>], vector<16xf32>,
        %add3A_170 = arith.addf %add3A_158, %gather3A_169 : vector<16xf32>
        scf.yield %add3A_170 : vector<16xf32>
      }
      %scan3A_46 = arith.constant 64 : i32
      %add3A_47 = arith.constant 2 : i32
      %add3A_48 = arith.addi %add3A_32, %add3A_47 : i32
      %lt3A = arith.constant 22 : i32
      %lt3A_49 = arith.cmpi slt, %add3A_48, %lt3A : i32
      %convert_element_type3A = arith.extui %lt3A_49 : i1 to i32
      %cond3A = arith.constant 0 : i32
      %cond3A_50 = arith.cmpi ne, %convert_element_type3A, %cond3A : i32
      scf.if %cond3A_50 {
        %add3A_77 = arith.constant 2 : i32
        %add3A_78 = arith.addi %add3A_32, %add3A_77 : i32
        %mul3A_79 = arith.constant 1024 : i32
        %mul3A_80 = arith.muli %add3A_78, %mul3A_79 : i32
        %add3A_81 = arith.addi %mul3A_2, %mul3A_80 : i32
        %dma_start3A_82 = arith.constant 0 : i32
        %dma_start3A_83 = tpu.memref_slice %arg3[%dma_start3A_82, %add3A_81] : memref<21x1048576xf32, #tpu.memory_space<hbm>> -> memref<21x1024xf32, #tpu.memory_space<hbm>>
        %dma_start3A_84 = arith.constant 0 : i32
        %dma_start3A_85 = tpu.memref_slice %arg3[%dma_start3A_84, %add3A_81] : memref<21x1048576xf32, #tpu.memory_space<hbm>> -> memref<21x1024xf32, #tpu.memory_space<hbm>>
        tpu.enqueue_dma source(%dma_start3A_85 : memref<21x1024xf32, #tpu.memory_space<hbm>>) target(%arg5 : memref<21x1024xf32, #tpu.memory_space<vmem>>) target_semaphore(%arg9 : memref<!tpu.dma_semaphore, #tpu.memory_space<semaphore_mem>>)
        %dma_start3A_86 = tpu.memref_slice %arg2[%add3A_81] : memref<1048576xi32, #tpu.memory_space<hbm>> -> memref<1024xi32, #tpu.memory_space<hbm>>
        %dma_start3A_87 = tpu.memref_slice %arg2[%add3A_81] : memref<1048576xi32, #tpu.memory_space<hbm>> -> memref<1024xi32, #tpu.memory_space<hbm>>
        tpu.enqueue_dma source(%dma_start3A_87 : memref<1024xi32, #tpu.memory_space<hbm>>) target(%arg7 : memref<1024xi32, #tpu.memory_space<vmem>>) target_semaphore(%arg11 : memref<!tpu.dma_semaphore, #tpu.memory_space<semaphore_mem>>)
      } else {
      }
      %mul3A_51 = arith.constant 2 : i32
      %mul3A_52 = arith.muli %scan3A_27, %mul3A_51 : i32
      %add3A_53 = arith.constant 1 : i32
      %add3A_54 = arith.addi %mul3A_52, %add3A_53 : i32
      %mul3A_55 = arith.constant 1024 : i32
      %mul3A_56 = arith.muli %add3A_54, %mul3A_55 : i32
      %add3A_57 = arith.addi %mul3A_2, %mul3A_56 : i32
      %dma_wait3A_58 = arith.constant 0 : i32
      %dma_wait3A_59 = tpu.memref_slice %arg3[%dma_wait3A_58, %add3A_57] : memref<21x1048576xf32, #tpu.memory_space<hbm>> -> memref<21x1024xf32, #tpu.memory_space<hbm>>
      %dma_wait3A_60 = arith.constant 0 : i32
      %dma_wait3A_61 = tpu.memref_slice %arg3[%dma_wait3A_60, %add3A_57] : memref<21x1048576xf32, #tpu.memory_space<hbm>> -> memref<21x1024xf32, #tpu.memory_space<hbm>>
      tpu.wait_dma2 semaphore(%arg10 : memref<!tpu.dma_semaphore, #tpu.memory_space<semaphore_mem>>) src(%dma_wait3A_61 : memref<21x1024xf32, #tpu.memory_space<hbm>>) dst(%arg6 : memref<21x1024xf32, #tpu.memory_space<vmem>>)
      %dma_wait3A_62 = tpu.memref_slice %arg2[%add3A_57] : memref<1048576xi32, #tpu.memory_space<hbm>> -> memref<1024xi32, #tpu.memory_space<hbm>>
      %dma_wait3A_63 = tpu.memref_slice %arg2[%add3A_57] : memref<1048576xi32, #tpu.memory_space<hbm>> -> memref<1024xi32, #tpu.memory_space<hbm>>
      tpu.wait_dma2 semaphore(%arg12 : memref<!tpu.dma_semaphore, #tpu.memory_space<semaphore_mem>>) src(%dma_wait3A_63 : memref<1024xi32, #tpu.memory_space<hbm>>) dst(%arg8 : memref<1024xi32, #tpu.memory_space<vmem>>)
      %scan3A_64 = arith.constant 0 : i32
      %scan3A_65 = arith.constant 64 : i32
      %scan3A_66 = arith.addi %scan3A_64, %scan3A_65 : i32
      %scan3A_67 = arith.constant 8 : i32
      %scan3A_68 = scf.for %scan3A_77 = %scan3A_64 to %scan3A_66 step %scan3A_67 iter_args(%scan3A_78 = %scan3A_45) -> (vector<16xf32>)  : i32 {
        %mul3A_79 = arith.constant 16 : i32
        %mul3A_80 = arith.muli %scan3A_77, %mul3A_79 : i32
        %get3A = arith.index_cast %mul3A_80 : i32 to index
        %get3A_81 = tpu.vector_load %arg8[%get3A] {strides = array<i32>} : memref<1024xi32, #tpu.memory_space<vmem>>, vector<16xi32>,
        %mul3A_82 = arith.constant 16 : i32
        %mul3A_83 = arith.muli %scan3A_77, %mul3A_82 : i32
        %add3A_84 = vector.broadcast %mul3A_83 : i32 to vector<16xi32>
        %add3A_85 = arith.addi %add3A_84, %iota3A : vector<16xi32>
        %gather3A = tpu.vector_load_idx %arg6[%get3A_81, %add3A_85] : memref<21x1024xf32, #tpu.memory_space<vmem>>[vector<16xi32>, vector<16xi32>], vector<16xf32>,
        %add3A_86 = arith.addf %scan3A_78, %gather3A : vector<16xf32>
        %scan3A_87 = arith.constant 1 : i32
        %scan3A_88 = arith.addi %scan3A_77, %scan3A_87 : i32
        %mul3A_89 = arith.constant 16 : i32
        %mul3A_90 = arith.muli %scan3A_88, %mul3A_89 : i32
        %get3A_91 = arith.index_cast %mul3A_90 : i32 to index
        %get3A_92 = tpu.vector_load %arg8[%get3A_91] {strides = array<i32>} : memref<1024xi32, #tpu.memory_space<vmem>>, vector<16xi32>,
        %mul3A_93 = arith.constant 16 : i32
        %mul3A_94 = arith.muli %scan3A_88, %mul3A_93 : i32
        %add3A_95 = vector.broadcast %mul3A_94 : i32 to vector<16xi32>
        %add3A_96 = arith.addi %add3A_95, %iota3A : vector<16xi32>
        %gather3A_97 = tpu.vector_load_idx %arg6[%get3A_92, %add3A_96] : memref<21x1024xf32, #tpu.memory_space<vmem>>[vector<16xi32>, vector<16xi32>], vector<16xf32>,
        %add3A_98 = arith.addf %add3A_86, %gather3A_97 : vector<16xf32>
        %scan3A_99 = arith.constant 2 : i32
        %scan3A_100 = arith.addi %scan3A_77, %scan3A_99 : i32
        %mul3A_101 = arith.constant 16 : i32
        %mul3A_102 = arith.muli %scan3A_100, %mul3A_101 : i32
        %get3A_103 = arith.index_cast %mul3A_102 : i32 to index
        %get3A_104 = tpu.vector_load %arg8[%get3A_103] {strides = array<i32>} : memref<1024xi32, #tpu.memory_space<vmem>>, vector<16xi32>,
        %mul3A_105 = arith.constant 16 : i32
        %mul3A_106 = arith.muli %scan3A_100, %mul3A_105 : i32
        %add3A_107 = vector.broadcast %mul3A_106 : i32 to vector<16xi32>
        %add3A_108 = arith.addi %add3A_107, %iota3A : vector<16xi32>
        %gather3A_109 = tpu.vector_load_idx %arg6[%get3A_104, %add3A_108] : memref<21x1024xf32, #tpu.memory_space<vmem>>[vector<16xi32>, vector<16xi32>], vector<16xf32>,
        %add3A_110 = arith.addf %add3A_98, %gather3A_109 : vector<16xf32>
        %scan3A_111 = arith.constant 3 : i32
        %scan3A_112 = arith.addi %scan3A_77, %scan3A_111 : i32
        %mul3A_113 = arith.constant 16 : i32
        %mul3A_114 = arith.muli %scan3A_112, %mul3A_113 : i32
        %get3A_115 = arith.index_cast %mul3A_114 : i32 to index
        %get3A_116 = tpu.vector_load %arg8[%get3A_115] {strides = array<i32>} : memref<1024xi32, #tpu.memory_space<vmem>>, vector<16xi32>,
        %mul3A_117 = arith.constant 16 : i32
        %mul3A_118 = arith.muli %scan3A_112, %mul3A_117 : i32
        %add3A_119 = vector.broadcast %mul3A_118 : i32 to vector<16xi32>
        %add3A_120 = arith.addi %add3A_119, %iota3A : vector<16xi32>
        %gather3A_121 = tpu.vector_load_idx %arg6[%get3A_116, %add3A_120] : memref<21x1024xf32, #tpu.memory_space<vmem>>[vector<16xi32>, vector<16xi32>], vector<16xf32>,
        %add3A_122 = arith.addf %add3A_110, %gather3A_121 : vector<16xf32>
        %scan3A_123 = arith.constant 4 : i32
        %scan3A_124 = arith.addi %scan3A_77, %scan3A_123 : i32
        %mul3A_125 = arith.constant 16 : i32
        %mul3A_126 = arith.muli %scan3A_124, %mul3A_125 : i32
        %get3A_127 = arith.index_cast %mul3A_126 : i32 to index
        %get3A_128 = tpu.vector_load %arg8[%get3A_127] {strides = array<i32>} : memref<1024xi32, #tpu.memory_space<vmem>>, vector<16xi32>,
        %mul3A_129 = arith.constant 16 : i32
        %mul3A_130 = arith.muli %scan3A_124, %mul3A_129 : i32
        %add3A_131 = vector.broadcast %mul3A_130 : i32 to vector<16xi32>
        %add3A_132 = arith.addi %add3A_131, %iota3A : vector<16xi32>
        %gather3A_133 = tpu.vector_load_idx %arg6[%get3A_128, %add3A_132] : memref<21x1024xf32, #tpu.memory_space<vmem>>[vector<16xi32>, vector<16xi32>], vector<16xf32>,
        %add3A_134 = arith.addf %add3A_122, %gather3A_133 : vector<16xf32>
        %scan3A_135 = arith.constant 5 : i32
        %scan3A_136 = arith.addi %scan3A_77, %scan3A_135 : i32
        %mul3A_137 = arith.constant 16 : i32
        %mul3A_138 = arith.muli %scan3A_136, %mul3A_137 : i32
        %get3A_139 = arith.index_cast %mul3A_138 : i32 to index
        %get3A_140 = tpu.vector_load %arg8[%get3A_139] {strides = array<i32>} : memref<1024xi32, #tpu.memory_space<vmem>>, vector<16xi32>,
        %mul3A_141 = arith.constant 16 : i32
        %mul3A_142 = arith.muli %scan3A_136, %mul3A_141 : i32
        %add3A_143 = vector.broadcast %mul3A_142 : i32 to vector<16xi32>
        %add3A_144 = arith.addi %add3A_143, %iota3A : vector<16xi32>
        %gather3A_145 = tpu.vector_load_idx %arg6[%get3A_140, %add3A_144] : memref<21x1024xf32, #tpu.memory_space<vmem>>[vector<16xi32>, vector<16xi32>], vector<16xf32>,
        %add3A_146 = arith.addf %add3A_134, %gather3A_145 : vector<16xf32>
        %scan3A_147 = arith.constant 6 : i32
        %scan3A_148 = arith.addi %scan3A_77, %scan3A_147 : i32
        %mul3A_149 = arith.constant 16 : i32
        %mul3A_150 = arith.muli %scan3A_148, %mul3A_149 : i32
        %get3A_151 = arith.index_cast %mul3A_150 : i32 to index
        %get3A_152 = tpu.vector_load %arg8[%get3A_151] {strides = array<i32>} : memref<1024xi32, #tpu.memory_space<vmem>>, vector<16xi32>,
        %mul3A_153 = arith.constant 16 : i32
        %mul3A_154 = arith.muli %scan3A_148, %mul3A_153 : i32
        %add3A_155 = vector.broadcast %mul3A_154 : i32 to vector<16xi32>
        %add3A_156 = arith.addi %add3A_155, %iota3A : vector<16xi32>
        %gather3A_157 = tpu.vector_load_idx %arg6[%get3A_152, %add3A_156] : memref<21x1024xf32, #tpu.memory_space<vmem>>[vector<16xi32>, vector<16xi32>], vector<16xf32>,
        %add3A_158 = arith.addf %add3A_146, %gather3A_157 : vector<16xf32>
        %scan3A_159 = arith.constant 7 : i32
        %scan3A_160 = arith.addi %scan3A_77, %scan3A_159 : i32
        %mul3A_161 = arith.constant 16 : i32
        %mul3A_162 = arith.muli %scan3A_160, %mul3A_161 : i32
        %get3A_163 = arith.index_cast %mul3A_162 : i32 to index
        %get3A_164 = tpu.vector_load %arg8[%get3A_163] {strides = array<i32>} : memref<1024xi32, #tpu.memory_space<vmem>>, vector<16xi32>,
        %mul3A_165 = arith.constant 16 : i32
        %mul3A_166 = arith.muli %scan3A_160, %mul3A_165 : i32
        %add3A_167 = vector.broadcast %mul3A_166 : i32 to vector<16xi32>
        %add3A_168 = arith.addi %add3A_167, %iota3A : vector<16xi32>
        %gather3A_169 = tpu.vector_load_idx %arg6[%get3A_164, %add3A_168] : memref<21x1024xf32, #tpu.memory_space<vmem>>[vector<16xi32>, vector<16xi32>], vector<16xf32>,
        %add3A_170 = arith.addf %add3A_158, %gather3A_169 : vector<16xf32>
        scf.yield %add3A_170 : vector<16xf32>
      }
      %scan3A_69 = arith.constant 64 : i32
      %add3A_70 = arith.constant 2 : i32
      %add3A_71 = arith.addi %add3A_54, %add3A_70 : i32
      %lt3A_72 = arith.constant 22 : i32
      %lt3A_73 = arith.cmpi slt, %add3A_71, %lt3A_72 : i32
      %convert_element_type3A_74 = arith.extui %lt3A_73 : i1 to i32
      %cond3A_75 = arith.constant 0 : i32
      %cond3A_76 = arith.cmpi ne, %convert_element_type3A_74, %cond3A_75 : i32
      scf.if %cond3A_76 {
        %add3A_77 = arith.constant 2 : i32
        %add3A_78 = arith.addi %add3A_54, %add3A_77 : i32
        %mul3A_79 = arith.constant 1024 : i32
        %mul3A_80 = arith.muli %add3A_78, %mul3A_79 : i32
        %add3A_81 = arith.addi %mul3A_2, %mul3A_80 : i32
        %dma_start3A_82 = arith.constant 0 : i32
        %dma_start3A_83 = tpu.memref_slice %arg3[%dma_start3A_82, %add3A_81] : memref<21x1048576xf32, #tpu.memory_space<hbm>> -> memref<21x1024xf32, #tpu.memory_space<hbm>>
        %dma_start3A_84 = arith.constant 0 : i32
        %dma_start3A_85 = tpu.memref_slice %arg3[%dma_start3A_84, %add3A_81] : memref<21x1048576xf32, #tpu.memory_space<hbm>> -> memref<21x1024xf32, #tpu.memory_space<hbm>>
        tpu.enqueue_dma source(%dma_start3A_85 : memref<21x1024xf32, #tpu.memory_space<hbm>>) target(%arg6 : memref<21x1024xf32, #tpu.memory_space<vmem>>) target_semaphore(%arg10 : memref<!tpu.dma_semaphore, #tpu.memory_space<semaphore_mem>>)
        %dma_start3A_86 = tpu.memref_slice %arg2[%add3A_81] : memref<1048576xi32, #tpu.memory_space<hbm>> -> memref<1024xi32, #tpu.memory_space<hbm>>
        %dma_start3A_87 = tpu.memref_slice %arg2[%add3A_81] : memref<1048576xi32, #tpu.memory_space<hbm>> -> memref<1024xi32, #tpu.memory_space<hbm>>
        tpu.enqueue_dma source(%dma_start3A_87 : memref<1024xi32, #tpu.memory_space<hbm>>) target(%arg8 : memref<1024xi32, #tpu.memory_space<vmem>>) target_semaphore(%arg12 : memref<!tpu.dma_semaphore, #tpu.memory_space<semaphore_mem>>)
      } else {
      }
      scf.yield %scan3A_68 : vector<16xf32>
    }
    %scan3A_23 = arith.constant 11 : i32
    %bitcast_convert_type3A = tpu.bitcast %scan3A_22 : vector<16xf32> -> vector<16xi32>
    %swap3A = arith.constant 0 : index
    %swap3A_24 = tpu.vector_load %arg7[%swap3A] {strides = array<i32>} : memref<1024xi32, #tpu.memory_space<vmem>>, vector<16xi32>,
    tpu.vector_store %arg7[%swap3A], %bitcast_convert_type3A {strides = array<i32>} : memref<1024xi32, #tpu.memory_space<vmem>>, vector<16xi32>,
    %mul3A_25 = arith.constant 16 : i32
    %mul3A_26 = arith.muli %add3A, %mul3A_25 : i32
    "tpu.region"() ({
      %run_scoped3A = tpu.sem_alloc : memref<!tpu.dma_semaphore, #tpu.memory_space<semaphore_mem>>
      %dma_start3A_27 = arith.constant 0 : i32
      %dma_start3A_28 = tpu.memref_slice %arg7[%dma_start3A_27] : memref<1024xi32, #tpu.memory_space<vmem>> -> memref<16xi32, #tpu.memory_space<vmem>>
      %dma_start3A_29 = tpu.memref_slice %arg4[%mul3A_26] : memref<512xi32, #tpu.memory_space<hbm>> -> memref<16xi32, #tpu.memory_space<hbm>>
      %dma_start3A_30 = tpu.memref_slice %arg4[%mul3A_26] : memref<512xi32, #tpu.memory_space<hbm>> -> memref<16xi32, #tpu.memory_space<hbm>>
      %dma_start3A_31 = arith.constant 0 : i32
      %dma_start3A_32 = tpu.memref_slice %arg7[%dma_start3A_31] : memref<1024xi32, #tpu.memory_space<vmem>> -> memref<16xi32, #tpu.memory_space<vmem>>
      tpu.enqueue_dma source(%dma_start3A_32 : memref<16xi32, #tpu.memory_space<vmem>>) target(%dma_start3A_30 : memref<16xi32, #tpu.memory_space<hbm>>) target_semaphore(%run_scoped3A : memref<!tpu.dma_semaphore, #tpu.memory_space<semaphore_mem>>)
      %dma_wait3A = arith.constant 0 : i32
      %dma_wait3A_33 = tpu.memref_slice %arg7[%dma_wait3A] : memref<1024xi32, #tpu.memory_space<vmem>> -> memref<16xi32, #tpu.memory_space<vmem>>
      %dma_wait3A_34 = tpu.memref_slice %arg4[%mul3A_26] : memref<512xi32, #tpu.memory_space<hbm>> -> memref<16xi32, #tpu.memory_space<hbm>>
      %dma_wait3A_35 = tpu.memref_slice %arg4[%mul3A_26] : memref<512xi32, #tpu.memory_space<hbm>> -> memref<16xi32, #tpu.memory_space<hbm>>
      %dma_wait3A_36 = arith.constant 0 : i32
      %dma_wait3A_37 = tpu.memref_slice %arg7[%dma_wait3A_36] : memref<1024xi32, #tpu.memory_space<vmem>> -> memref<16xi32, #tpu.memory_space<vmem>>
      tpu.wait_dma2 semaphore(%run_scoped3A : memref<!tpu.dma_semaphore, #tpu.memory_space<semaphore_mem>>) src(%dma_wait3A_37 : memref<16xi32, #tpu.memory_space<vmem>>) dst(%dma_wait3A_35 : memref<16xi32, #tpu.memory_space<hbm>>)
      tpu.yield
    }) : () -> ()
    return
  }
}

module attributes {stable_mosaic.version = 14 : i64} {
  func.func @_tc_body(%arg0: i32, %arg1: memref<1x1x8192xi32, #tpu.memory_space<vmem>>, %arg2: memref<21x8192xf32, #tpu.memory_space<vmem>>, %arg3: memref<1x1x128xf32, #tpu.memory_space<vmem>>) attributes {dimension_semantics = [#tpu.dimension_semantics<arbitrary>], iteration_bounds = array<i64: 40>, scalar_prefetch = 0 : i64, scratch_operands = 0 : i64, tpu.core_type = #tpu.core_type<tc>, window_params = [{transform_indices = @transform_0, window_bounds = array<i64: 1, 1, 8192>}, {transform_indices = @transform_1, window_bounds = array<i64: 21, 8192>}, {pipeline_mode = #tpu.pipeline_mode<synchronous>, transform_indices = @transform_2, window_bounds = array<i64: 1, 1, 128>}]} {
    %get3A = arith.constant 0 : index
    %get3A_0 = arith.constant 0 : index
    %get3A_1 = vector.load %arg2[%get3A, %get3A_0] : memref<21x8192xf32, #tpu.memory_space<vmem>>, vector<21x8192xf32>
    %get3A_2 = arith.constant 0 : index
    %get3A_3 = arith.constant 0 : index
    %get3A_4 = arith.constant 0 : index
    %get3A_5 = vector.load %arg1[%get3A_2, %get3A_3, %get3A_4] : memref<1x1x8192xi32, #tpu.memory_space<vmem>>, vector<1x1x8192xi32>
    %get3A_6 = vector.shape_cast %get3A_5 : vector<1x1x8192xi32> to vector<8192xi32>
    %iota3A = tpu.iota {dimensions = array<i32: 0>} : vector<21x8192xi32>
    %broadcast_in_dim3A = vector.shape_cast %get3A_6 : vector<8192xi32> to vector<1x8192xi32>
    %eq3A = vector.broadcast %broadcast_in_dim3A : vector<1x8192xi32> to vector<21x8192xi32>
    %eq3A_7 = arith.cmpi eq, %iota3A, %eq3A : vector<21x8192xi32>
    %jit3A = arith.constant 0.000000e+00 : f32
    %broadcast_in_dim3A_8 = vector.broadcast %jit3A : f32 to vector<21x8192xf32>
    %select_n3A = arith.select %eq3A_7, %get3A_1, %broadcast_in_dim3A_8 : vector<21x8192xi1>, vector<21x8192xf32>
    %reduce_sum3A = arith.constant dense<0.000000e+00> : vector<8192xf32>
    %reduce_sum3A_9 = vector.multi_reduction <add>, %select_n3A, %reduce_sum3A [0] : vector<21x8192xf32> to vector<8192xf32>
    %reshape3A = vector.shape_cast %reduce_sum3A_9 : vector<8192xf32> to vector<64x128xf32>
    %reduce_sum3A_10 = arith.constant dense<0.000000e+00> : vector<128xf32>
    %reduce_sum3A_11 = vector.multi_reduction <add>, %reshape3A, %reduce_sum3A_10 [0] : vector<64x128xf32> to vector<128xf32>
    %eq3A_12 = arith.constant 0 : i32
    %eq3A_13 = arith.cmpi eq, %arg0, %eq3A_12 : i32
    %convert_element_type3A = arith.extui %eq3A_13 : i1 to i32
    %cond3A = arith.constant 0 : i32
    %cond3A_14 = arith.cmpi ne, %convert_element_type3A, %cond3A : i32
    scf.if %cond3A_14 {
      %swap3A = arith.constant 0 : index
      %swap3A_19 = arith.constant 0 : index
      %swap3A_20 = arith.constant 0 : index
      %swap3A_21 = vector.load %arg3[%swap3A, %swap3A_19, %swap3A_20] : memref<1x1x128xf32, #tpu.memory_space<vmem>>, vector<1x1x128xf32>
      %swap3A_22 = vector.shape_cast %swap3A_21 : vector<1x1x128xf32> to vector<128xf32>
      %swap3A_23 = vector.shape_cast %reduce_sum3A_11 : vector<128xf32> to vector<1x1x128xf32>
      tpu.vector_store %arg3[%swap3A, %swap3A_19, %swap3A_20], %swap3A_23 {strides = array<i32>} : memref<1x1x128xf32, #tpu.memory_space<vmem>>, vector<1x1x128xf32>,
    } else {
    }
    %ne3A = arith.constant 0 : i32
    %ne3A_15 = arith.cmpi ne, %arg0, %ne3A : i32
    %convert_element_type3A_16 = arith.extui %ne3A_15 : i1 to i32
    %cond3A_17 = arith.constant 0 : i32
    %cond3A_18 = arith.cmpi ne, %convert_element_type3A_16, %cond3A_17 : i32
    scf.if %cond3A_18 {
      %get3A_19 = arith.constant 0 : index
      %get3A_20 = arith.constant 0 : index
      %get3A_21 = arith.constant 0 : index
      %get3A_22 = vector.load %arg3[%get3A_19, %get3A_20, %get3A_21] : memref<1x1x128xf32, #tpu.memory_space<vmem>>, vector<1x1x128xf32>
      %get3A_23 = vector.shape_cast %get3A_22 : vector<1x1x128xf32> to vector<128xf32>
      %add3A = arith.addf %get3A_23, %reduce_sum3A_11 : vector<128xf32>
      %swap3A = arith.constant 0 : index
      %swap3A_24 = arith.constant 0 : index
      %swap3A_25 = arith.constant 0 : index
      %swap3A_26 = vector.load %arg3[%swap3A, %swap3A_24, %swap3A_25] : memref<1x1x128xf32, #tpu.memory_space<vmem>>, vector<1x1x128xf32>
      %swap3A_27 = vector.shape_cast %swap3A_26 : vector<1x1x128xf32> to vector<128xf32>
      %swap3A_28 = vector.shape_cast %add3A : vector<128xf32> to vector<1x1x128xf32>
      tpu.vector_store %arg3[%swap3A, %swap3A_24, %swap3A_25], %swap3A_28 {strides = array<i32>} : memref<1x1x128xf32, #tpu.memory_space<vmem>>, vector<1x1x128xf32>,
    } else {
    }
    return
  }
  func.func @transform_0(%arg0: i32) -> (i32, i32, i32) {
    %add3A = arith.constant 88 : i32
    %add3A_0 = arith.addi %add3A, %arg0 : i32
    %c0_i32 = arith.constant 0 : i32
    %c0_i32_1 = arith.constant 0 : i32
    %c0_i32_2 = arith.constant 0 : i32
    return %add3A_0, %c0_i32, %c0_i32_1 : i32, i32, i32
  }
  func.func @transform_1(%arg0: i32) -> (i32, i32) {
    %add3A = arith.constant 88 : i32
    %add3A_0 = arith.addi %add3A, %arg0 : i32
    %c0_i32 = arith.constant 0 : i32
    %c0_i32_1 = arith.constant 0 : i32
    return %c0_i32, %add3A_0 : i32, i32
  }
  func.func @transform_2(%arg0: i32) -> (i32, i32, i32) {
    %c0_i32 = arith.constant 0 : i32
    %c0_i32_0 = arith.constant 0 : i32
    %c0_i32_1 = arith.constant 0 : i32
    %c0_i32_2 = arith.constant 0 : i32
    return %c0_i32, %c0_i32_0, %c0_i32_1 : i32, i32, i32
  }
}

</mosaic_0001>

<sc_bundles>
// kernel: kernel.4.cloned.1.call-start
scs
__scs_entry_jumppad:
0x0: {  	(pc) =	sbr.rel $0x88, $3  }
0x1: {  	(tag) =	ssettag $0x0;
	lr =	simm.s32 $0x1  }
0x2: {  	[smem:$0x3F9F] =	sst lr;
	_ =	strace $0xD0000000  }
0x3: {  	_ = 	snop  }
0x4: {  	_ = 	snop  }
0x5: {  	_ = 	snop  }
0x6: {  	_ = 	snop  }
0x7: {  	_ = 	snop  }
__scs_overlays_trampoline_lowered:
0x8: {  	[smem:$0x3FAE] =	sst s0  }
0x9: {  	[smem:$0x3FAF] =	sst s1  }
0xa: {  	[smem:$0x3FB0] =	sst s2  }
0xb: {  	[smem:$0x3FB1] =	sst s3  }
0xc: {  	[smem:$0x3FB2] =	sst s4  }
0xd: {  	[smem:$0x3FB3] =	sst s5  }
0xe: {  	[smem:$0x3FB4] =	sst s6  }
0xf: {  	[smem:$0x3FB5] =	sst s7  }
0x10: {  	[smem:$0x3FB6] =	sst s8  }
0x11: {  	[smem:$0x3FB7] =	sst s9;
	s0 =	simm.s32 @!p0 $0x0  }
0x12: {  	s1 =	sld [smem:$0x3F9D];
	s0 =	simm.s32 @p0 $0x1  }
0x13: {  	[smem:$0x3FB8] =	sst s0;
	s0 =	simm.s32 @!p1 $0x0  }
0x14: {  	s2 =	sld [smem:$0x3F9C];
	s0 =	simm.s32 @p1 $0x1  }
0x15: {  	[smem:$0x3FB9] =	sst s0;
	s0 =	simm.s32 @!p2 $0x0  }
0x16: {  	s3 =	sld [smem:$0x3FDB];
	s0 =	simm.s32 @p2 $0x1  }
0x17: {  	s4 =	simm.s32 $0x1BF5;
	[smem:$0x3FBB] =	sst s0  }
0x18: {  	s0 =	sld [smem:$0x3F9E];
	_ =	swait.ge [sflag:s4], $0x0  }
0x19: {  	s7 =	sld [smem:$0x3F9F]  }
0x1a: {  	s8 =	sadd.s32 $0xFFFFE003, lr  }
0x1b: {  	s9 =	sadd.s32 $0xFFFFFEF7, lr;
	s5 =	simm.s32 $0xFFFFFFFF;
	p2 =	slt.u32 s8, $0xFFFFF086  }
0x1c: {  	p1 =	slt.u32 s9, $0xF7A;
	s5 =	simm.s32 @!p2 $0x0  }
0x1d: {  	s5 =	simm.s32 @p1 $0x1;
	p0 =	seq.s32 s7, s2  }
0x1e: {  	s7 =	smul.u32 @!p0 $0xF7A, s2;
	p2 =	seq.s32 @!p0 s5, $0x0  }
0x1f: {  	s9 =	smul.u32 $0xF7A, s1;
	s8 =	simm.s32 @!p0 $0x1BF5;
	p2 =	por !p2, p0  }
0x20: {  	[sflag:s8] =	ssyncset.s32 @!p0 $0xFFFFF086;
	s6 =	sadd.s32 @!p0 s3, s7;
	s7 =	simm.s32 @!p0 $0x108  }
0x21: {  	s3 =	sadd.s32 s3, s9;
	s6 =	sadd.s32 @!p0 $0x88, s6;
	s7 =	simm.s32 @p2 $0x1082  }
0x22: {  	[simem:s7], [sflag:s8] =	dma.local @!p0 [hbm:s6], $0xF7A  }
0x23: {  	s9 =	sor.u32 $0xD0000000, s2;
	s6 =	simm.s32 $0x108;
	_ =	swait.ge @!p0 [sflag:s8], $0x0  }
0x24: {  	s3 =	sadd.s32 $0x88, s3;
	s6 =	simm.s32 @!p1 $0x1082;
	[sflag:s4] =	ssyncset.s32 $0xFFFFF086  }
0x25: {  	[simem:s6], [sflag:s4] =	dma.local [hbm:s3], $0xF7A  }
0x26: {  	[smem:$0x3F9F] =	sst s1;
	(tag) =	ssettag s2;
	_ =	strace s9  }
0x27: {  	s1 =	sld [smem:$0x3FAF]  }
0x28: {  	s2 =	sld [smem:$0x3FB0]  }
0x29: {  	s4 =	sld [smem:$0x3FB2]  }
0x2a: {  	p0 =	seq.s32 s5, $0x0;
	s5 =	sld [smem:$0x3FB3]  }
0x2b: {  	s6 =	sld [smem:$0x3FB4]  }
0x2c: {  	s7 =	sld [smem:$0x3FB5]  }
0x2d: {  	s3 =	simm.s32 $0x108;
	s8 =	sld [smem:$0x3FB6]  }
0x2e: {  	s3 =	simm.s32 @!p0 $0x1082;
	s9 =	sld [smem:$0x3FB7]  }
0x2f: {  	lr =	sadd.s32 s0, s3;
	s0 =	sld [smem:$0x3FAE]  }
0x30: {  	s3 =	sld [smem:$0x3FB1]  }
0x31: {  	[smem:$0x3FBA] =	sst s10  }
0x32: {  	s10 =	sld [smem:$0x3FB8];
	_ =	sdelay $0x3  }
0x33: {  	p0 =	seq.s32 s10, $0x1;
	s10 =	sld [smem:$0x3FBA];
	_ =	sdelay $0x3  }
0x34: {  	[smem:$0x3FBA] =	sst s10  }
0x35: {  	s10 =	sld [smem:$0x3FB9];
	_ =	sdelay $0x3  }
0x36: {  	p1 =	seq.s32 s10, $0x1;
	s10 =	sld [smem:$0x3FBA];
	_ =	sdelay $0x3  }
0x37: {  	[smem:$0x3FBA] =	sst s10  }
0x38: {  	s10 =	sld [smem:$0x3FBB]  }
0x39: {  	_ = 	snop;
	(pc) =	sbr.ind lr, $3  }
0x3a: {  	_ = 	snop  }
0x3b: {  	_ = 	snop  }
0x3c: {  	p2 =	seq.s32 s10, $0x1;
	s10 =	sld [smem:$0x3FBA]  }
0x3d: {  	_ =	shalt  }
0x3e: {  	_ =	shalt  }
0x3f: {  	_ =	shalt  }
0x40: {  	_ =	shalt  }
0x41: {  	_ =	shalt  }
0x42: {  	_ =	shalt  }
0x43: {  	_ =	shalt  }
0x44: {  	_ =	shalt  }
0x45: {  	_ =	shalt  }
0x46: {  	_ =	shalt  }
0x47: {  	_ =	shalt  }
0x48: {  	_ =	shalt  }
0x49: {  	_ =	shalt  }
0x4a: {  	_ =	shalt  }
0x4b: {  	_ =	shalt  }
0x4c: {  	_ =	shalt  }
0x4d: {  	_ =	shalt  }
0x4e: {  	_ =	shalt  }
0x4f: {  	_ =	shalt  }
0x50: {  	_ =	shalt  }
0x51: {  	_ =	shalt  }
0x52: {  	_ =	shalt  }
0x53: {  	_ =	shalt  }
0x54: {  	_ =	shalt  }
0x55: {  	_ =	shalt  }
0x56: {  	_ =	shalt  }
0x57: {  	_ =	shalt  }
0x58: {  	_ =	shalt  }
0x59: {  	_ =	shalt  }
0x5a: {  	_ =	shalt  }
0x5b: {  	_ =	shalt  }
0x5c: {  	_ =	shalt  }
0x5d: {  	_ =	shalt  }
0x5e: {  	_ =	shalt  }
0x5f: {  	_ =	shalt  }
0x60: {  	_ =	shalt  }
0x61: {  	_ =	shalt  }
0x62: {  	_ =	shalt  }
0x63: {  	_ =	shalt  }
0x64: {  	_ =	shalt  }
0x65: {  	_ =	shalt  }
0x66: {  	_ =	shalt  }
0x67: {  	_ =	shalt  }
0x68: {  	_ =	shalt  }
0x69: {  	_ =	shalt  }
0x6a: {  	_ =	shalt  }
0x6b: {  	_ =	shalt  }
0x6c: {  	_ =	shalt  }
0x6d: {  	_ =	shalt  }
0x6e: {  	_ =	shalt  }
0x6f: {  	_ =	shalt  }
0x70: {  	_ =	shalt  }
0x71: {  	_ =	shalt  }
0x72: {  	_ =	shalt  }
0x73: {  	_ =	shalt  }
0x74: {  	_ =	shalt  }
0x75: {  	_ =	shalt  }
0x76: {  	_ =	shalt  }
0x77: {  	_ =	shalt  }
0x78: {  	_ =	shalt  }
0x79: {  	_ =	shalt  }
0x7a: {  	_ =	shalt  }
0x7b: {  	_ =	shalt  }
0x7c: {  	_ =	shalt  }
0x7d: {  	_ =	shalt  }
0x7e: {  	_ =	shalt  }
0x7f: {  	_ =	shalt  }
0x80: {  	_ =	shalt  }
0x81: {  	_ =	shalt  }
0x82: {  	_ =	shalt  }
0x83: {  	_ =	shalt  }
0x84: {  	_ =	shalt  }
0x85: {  	_ =	shalt  }
0x86: {  	_ =	shalt  }
0x87: {  	_ =	shalt  }
.Lfunc_end0:
.L_simem_size_0:
called_computation_lowered:
.L_overlay_start_0:
0x88: {  	s2 =	sld [smem:$0x3FD9]  }
0x89: {  	s3 =	sld [smem:$0x3FFE];
	_ =	sdelay $0x1  }
0x8a: {  	s1 =	srdreg.scid  }
0x8b: {  	s0 =	sand.u32 $0x1, s1  }
0x8c: {  	s17 =	sshll.u32 s0, $0xA;
	s2 =	sadd.s32 s3, s2  }
0x8d: {  	s2 =	sadd.s32 s2, s17  }
0x8e: {  	[smem:$0x3FC6] =	sst s2  }
0x8f: {  	_ = 	snop  }
0x90: {  	s2 =	sld [smem:$0x3FC9]  }
0x91: {  	s18 =	sld [smem:$0x3FC8];
	(tm) =	ssettm $0x1  }
0x92: {  	s4 =	sld [smem:$0x3FFB];
	_ =	sdelay $0x3  }
0x93: {  	_ =	strace s4  }
0x94: {  	s4 =	sld [smem:$0x3FFC];
	_ =	sdelay $0x3  }
0x95: {  	_ =	strace s4  }
0x96: {  	s4 =	sld [smem:$0x3FFD];
	_ =	sdelay $0x3  }
0x97: {  	_ =	strace s4  }
0x98: {  	_ =	strace $0x8FFFFFFF  }
0x99: {  	s19 =	sld [smem:$0x3FDB];
	_ =	sdelay $0x1  }
0x9a: {  	s5 =	simm.s32 $_scs_section_size  }
0x9b: {  	s6 =	simm.s32 $_size__tile_overlayer_lowered;
	s7 =	simm.s32 $_tile_overlayer_lowered  }
0x9c: {  	s22 =	simm.s32 $0x1BFF;
	s21 =	sshll.u32 s7, $0x1;
	s4 =	sadd.s32 s5, s19  }
0x9d: {  	s8 =	simm.s32 $0x0;
	s20 =	sshll.u32 s6, $0x1;
	s6 =	sadd.s32 s21, s4  }
0x9e: {  	[timem:s8], [sflag:s22] =	dma.local [hbm:s6], s20  }
0x9f: {  	_ =	swait.ge [sflag:s22], s20  }
0xa0: {  	s5 =	ssub.s32 $0x0, s20;
	[sflag:s22] =	ssyncset.done $0x0  }
0xa1: {  	[sflag:s22] =	ssyncadd.s32 s5;
	_ =	sdelay $0x1  }
0xa2: {  	s23 =	simm.s32 $0x1B8B  }
0xa3: {  	_ =	swait.ge [sflag:s23], $0x1  }
0xa4: {  	[sflag:s23] =	ssyncset.done $0x0  }
0xa5: {  	s25 =	simm.s32 $0x1B8E;
	s24 =	sld [smem:$0x3FFE];
	[sflag:s23] =	ssyncadd.s32 $0xFFFFFFFF  }
0xa6: {  	s26 =	simm.s32 $execute0_lowered;
	[smem:$0x3FD2] =	sst s25  }
0xa7: {  	s6 =	sshll.u32 s26, $0x1;
	_ =	strace $0x80000046;
	[dreg:$0x1] =	wrdreg $0xFFFFFFFF  }
0xa8: {  	s28 =	simm.s32 $_size_execute0_lowered;
	s4 =	sadd.s32 s4, s6;
	[dreg:$0x0] =	wrdreg $0x0  }
0xa9: {  	s6 =	sshll.u32 s28, $0x1;
	[dreg:$0x2] =	wrdreg s4  }
0xaa: {  	[dreg:$0x3] =	wrdreg s6  }
0xab: {  	[dreg:$0x4] =	wrdreg $0xC0  }
0xac: {  	_ =	task [dreg:s8], $0x5FFFF  }
0xad: {  	[dreg:$0x1] =	wrdreg $0xFFFFFFFF  }
0xae: {  	[dreg:$0x0] =	wrdreg $0x60  }
0xaf: {  	[dreg:$0x2] =	wrdreg s2  }
0xb0: {  	[dreg:$0x3] =	wrdreg s18  }
0xb1: {  	[dreg:$0x4] =	wrdreg s24  }
0xb2: {  	[dreg:$0x5] =	wrdreg $0x9  }
0xb3: {  	_ =	task.clear_ibuf [dreg:s8], $0x6FFFF;
	_ =	strace $0x90000046  }
0xb4: {  	s29 =	simm.s32 $0x9;
	_ =	strace $0x80000048  }
0xb5: {  	_ =	swait.ge [sflag:s29], $0x1  }
0xb6: {  	[sflag:s29] =	ssyncadd.s32 $0xFFFFFFFF  }
0xb7: {  	_ =	strace $0x90000048  }
0xb8: {  	_ =	sfence  }
0xb9: {  	s30 =	sld [smem:$0x0];
	_ =	sdelay $0x2  }
0xba: {  	s31 =	sshll.u32 s1, $0xD;
	s1 =	sshrl.u32 s1, $0x2  }
0xbb: {  	s3 =	sand.u32 $0x4000, s31;
	s1 =	sadd.s32 s1, s30  }
0xbc: {  	s0 =	sor.u32 s3, s0;
	s1 =	sshll.u32 s1, $0x11  }
0xbd: {  	s0 =	sor.u32 s1, s0  }
0xbe: {  	s0 =	sadd.s32 $0x8F2B, s0  }
0xbf: {  	[sflag:s0] =	ssyncadd.remote.s32 $0x1  }
0xc0: {  	_ =	sfence.sel $0xFFFF  }
0xc1: {  	[dreg:$0x0] =	wrdreg $0xFFFFFFFF;
	(pc) =	sbr.abs _section_cstart, $3  }
0xc2: {  	[dreg:$0x1] =	wrdreg $0xFFFFFFFF  }
0xc3: {  	_ =	task.clear_ibuf [dreg:s8], $0x2FFFF;
	_ =	strace $0x9FFFFFFF  }
0xc4: {  	(tm) =	ssettm $0x7FFFFFFF  }
0xc5: {  	_ =	shalt  }
tec
execute0_lowered:
.L_overlay_start_1:
0x0: {  	(tag) =	ssettag $0x1  }
0x1: {  	s2 =	srdreg.scid;
	s1 =	rddreg [dreg:$0x0]  }
0x2: {  	s0 =	stileid.u32;
	s3 =	rddreg [dreg:$0x1]  }
0x3: {  	s11 =	rddreg [dreg:$0x2];
	s4 =	simm.s32 $0x0;
	s14 =	simm.s32 $0x800000  }
0x4: {  	s15 =	simm.s32 $0xC000;
	s16 =	simm.s32 $0x6000;
	s17 =	simm.s32 $0xC400  }
0x5: {  	s18 =	simm.s32 $0x1;
	s19 =	simm.s32 $0x3;
	s20 =	simm.s32 $0x2  }
0x6: {  	s21 =	simm.s32 $0x4;
	s22 =	simm.s32 $0x5;
	s23 =	simm.s32 $0x0  }
0x7: {  	s5 =	sand.u32 $0x1, s2;
	s29 =	sshll.u32 s0, $0x1;
	s2 =	rddreg [dreg:$0x3]  }
0x8: {  	[smem:$0x7FF] =	sst s4;
	s9 =	sor.u32 s5, s29;
	s5 =	ssub.s32 $0x2, s5  }
0x9: {  	s10 =	smul.u32 $0x5800, s9;
	s6 =	sshrl.u32 s5, $0x1;
	s31 =	sshll.u32 s9, $0x1  }
0xa: {  	_ =	strace $0x80000047;
	s12 =	ssub.s32 s5, s6;
	s11 =	sadd.s32 s11, s31  }
.Ltmp0:
0xb: {  	s7 =	sshrl.u32 s10, $0x7;
	s5 =	sadd.s32 s3, s10;
	(pc) =	sbr.rel .LBB2_1-.Ltmp0, $4  }
0xc: {  	v0 =	vlaneseq.u32;
	s30 =	sshrl.u32 s10, $0x3;
	s9 =	sadd.s32 $0x800, s10;
	s7 =	sor.u32 $0x8, s7  }
0xd: {  	v1 =	vor.u32 $0x10, v0;
	s10 =	sadd.s32 $0xC00, s10;
	s12 =	smax.u32 s12, $0x1;
	s8 =	sshll.u32 s7, $0x7  }
0xe: {  	v2 =	vor.u32 $0x20, v0;
	v3 =	vor.u32 $0x30, v0;
	v4 =	vor.u32 $0x40, v0;
	s6 =	sadd.s32 s1, s30;
	s13 =	sshll.u32 s7, $0x4;
	s8 =	sand.u32 $0x1FFFFC00, s8  }
0xf: {  	v5 =	vor.u32 $0x50, v0;
	v6 =	vor.u32 $0x60, v0;
	v7 =	vor.u32 $0x70, v0;
	s7 =	sadd.s32 s3, s8;
	s8 =	sadd.s32 s1, s13;
	s13 =	simm.s32 $0x2000  }
.LBB2_8:
0x10: {  	s23 =	sadd.s32 $0x1, s23  }
0x11: {  	p0 =	sne.s32 s23, s12  }
.Ltmp1:
0x12: {  	[tilespmem:$0xC000] =	vst v11;
	(pc) =	sbr.rel @!p0 .LBB2_9-.Ltmp1, $4  }
0x13: {  	[hbm4b:s11+s4] =	stream.linear.scatter [tilespmem:s15], [sflag:$0x5], $0x10, $0x38;
	[tilespmem:$0xC800] =	vst v63  }
0x14: {  	_ =	swait.ge [sflag:s22], $0x10  }
0x15: {  	[sflag:s22] =	ssyncset.done $0x0  }
0x16: {  	[sflag:s22] =	ssyncadd.s32 $0xFFFFFFF0  }
.LBB2_1:
0x17: {  	[tilespmem:s4], [sflag:$0x1] =	stream.strided.gather [hbm4b:s5+s13], $0x6000, s14, s13, $0x38;
	[tilespmem:$0xC800] =	vst v63  }
0x18: {  	_ = 	snop  }
0x19: {  	[tilespmem:s15], [sflag:$0x3] =	stream.linear.gather [hbm4b:s6+s4], $0x400, $0x38;
	[tilespmem:$0xC800] =	vst v63  }
0x1a: {  	_ = 	snop  }
0x1b: {  	[tilespmem:s16], [sflag:$0x2] =	stream.strided.gather [hbm4b:s7+s13], $0x6000, s14, s13, $0x38;
	[tilespmem:$0xC800] =	vst v63  }
0x1c: {  	s24 =	simm.s32 $0x0  }
0x1d: {  	v11 =	vimm.f32 $0.0e+00;
	[tilespmem:s17], [sflag:$0x4] =	stream.linear.gather [hbm4b:s8+s4], $0x400, $0x38;
	[tilespmem:$0xC800] =	vst v63  }
.LBB2_2:
0x1e: {  	_ =	swait.ge [sflag:s18], $0x6000  }
0x1f: {  	[sflag:s18] =	ssyncset.done $0x0  }
0x20: {  	[sflag:s18] =	ssyncadd.s32 $0xFFFFA000  }
0x21: {  	_ =	swait.ge [sflag:s19], $0x400  }
0x22: {  	[sflag:s19] =	ssyncset.done $0x0  }
0x23: {  	s25 =	simm.s32 $0xC040;
	[sflag:s19] =	ssyncadd.s32 $0xFFFFFC00  }
0x24: {  	v8 =	vld [tilespmem:s25+$0xFFFFFFE0]  }
0x25: {  	v9 =	vld [tilespmem:s25+$0x30]  }
0x26: {  	s26 =	simm.s32 $0x0;
	v10 =	vld [tilespmem:s25+$0xFFFFFFD0]  }
0x27: {  	v12 =	vmov s26;
	v13 =	vld [tilespmem:s25+$0xFFFFFFC0]  }
0x28: {  	v12 =	vshrl.u32 v12, $0x7;
	v15 =	vld [tilespmem:s25+$0xFFFFFFF0]  }
0x29: {  	v12 =	vshll.u32 v12, $0xA  }
0x2a: {  	v12 =	vbroadcast v12, $0x0;
	v14 =	vshll.u32 v9, $0xA;
	v9 =	vshll.u32 v9, $0x7  }
0x2b: {  	v16 =	vshll.u32 v10, $0xA;
	v17 =	vshll.u32 v8, $0xA;
	v8 =	vshll.u32 v8, $0x7  }
0x2c: {  	v18 =	vshll.u32 v13, $0x7;
	v13 =	vshll.u32 v13, $0xA;
	v10 =	vshll.u32 v10, $0x7  }
0x2d: {  	v20 =	vshll.u32 v15, $0xA;
	v15 =	vshll.u32 v15, $0x7;
	v16 =	vand.u32 $0xFFFFE000, v16  }
0x2e: {  	v19 =	vld [tilespmem:s25+$0x0];
	v17 =	vand.u32 $0xFFFFE000, v17;
	v8 =	vand.u32 $0x380, v8;
	v13 =	vand.u32 $0xFFFFE000, v13  }
0x2f: {  	v10 =	vand.u32 $0x380, v10;
	v15 =	vand.u32 $0x380, v15;
	v17 =	vadd.s32 v12, v17  }
0x30: {  	v18 =	vand.u32 $0x380, v18;
	v16 =	vadd.s32 v12, v16;
	v8 =	vor.u32 v8, v17;
	v17 =	vld [tilespmem:s25+$0x10]  }
0x31: {  	v13 =	vor.u32 v13, v12;
	v21 =	vor.u32 v2, v8;
	v8 =	vand.u32 $0xFFFFE000, v20  }
0x32: {  	v13 =	vor.u32 v18, v13;
	v10 =	vor.u32 v10, v16;
	v20 =	vld [tilespmem:s25+$0x20];
	v8 =	vadd.s32 v12, v8  }
0x33: {  	v13 =	vor.u32 v0, v13;
	v8 =	vor.u32 v15, v8;
	v15 =	vshll.u32 v19, $0xA  }
0x34: {  	v22 =	vor.u32 v3, v8;
	v8 =	vshll.u32 v19, $0x7;
	v15 =	vand.u32 $0xFFFFE000, v15  }
0x35: {  	v19 =	vshll.u32 v17, $0xA;
	v8 =	vand.u32 $0x380, v8;
	v17 =	vshll.u32 v17, $0x7  }
0x36: {  	s30 =	simm.s32 $0xC0C0;
	v15 =	vadd.s32 v12, v15;
	v18 =	vand.u32 $0xFFFFE000, v19;
	v17 =	vand.u32 $0x380, v17  }
0x37: {  	v19 =	vshll.u32 v20, $0xA;
	v8 =	vor.u32 v8, v15;
	v15 =	vld [tilespmem:s30+$0x30];
	v18 =	vadd.s32 v12, v18  }
0x38: {  	s31 =	simm.s32 $0x80;
	v23 =	vor.u32 v1, v10;
	v13 =	vld.idx.msk [tilespmem:v13+s4+$0x0], $0xffff;
	v17 =	vor.u32 v17, v18;
	v18 =	vand.u32 $0xFFFFE000, v19  }
0x39: {  	v19 =	vmov s31;
	v16 =	vor.u32 v5, v17;
	v17 =	vadd.s32 v12, v18;
	v18 =	vld [tilespmem:s30+$0xFFFFFFE0]  }
0x3a: {  	v14 =	vand.u32 $0xFFFFE000, v14;
	v20 =	vshll.u32 v20, $0x7;
	v10 =	vshrl.u32 v19, $0x7;
	v19 =	vld [tilespmem:s30+$0xFFFFFFD0]  }
0x3b: {  	v24 =	vor.u32 v4, v8;
	v8 =	vand.u32 $0x380, v20;
	v12 =	vadd.s32 v12, v14;
	v14 =	vld [tilespmem:s30+$0xFFFFFFC0]  }
0x3c: {  	v9 =	vand.u32 $0x380, v9;
	v10 =	vshll.u32 v10, $0xA;
	v17 =	vor.u32 v8, v17  }
0x3d: {  	v9 =	vor.u32 v9, v12;
	v8 =	vbroadcast v10, $0x0;
	v20 =	vor.u32 v6, v17  }
0x3e: {  	v12 =	vld.idx.msk [tilespmem:v23+s4+$0x0], $0xffff;
	v25 =	vor.u32 v7, v9;
	v10 =	vshll.u32 v15, $0xA;
	v9 =	vshll.u32 v15, $0x7  }
0x3f: {  	v23 =	vld [tilespmem:s30+$0xFFFFFFF0];
	v13 =	vadd.f32 v13, v11;
	v15 =	vshll.u32 v19, $0xA;
	v17 =	vshll.u32 v18, $0xA  }
0x40: {  	v18 =	vshll.u32 v18, $0x7;
	v26 =	vshll.u32 v14, $0x7;
	v17 =	vand.u32 $0xFFFFE000, v17  }
0x41: {  	v21 =	vld.idx.msk [tilespmem:v21+s4+$0x0], $0xffff;
	v11 =	vshll.u32 v14, $0xA;
	v18 =	vand.u32 $0x380, v18;
	v17 =	vadd.s32 v8, v17  }
0x42: {  	v14 =	vshll.u32 v19, $0x7;
	v15 =	vand.u32 $0xFFFFE000, v15;
	v17 =	vor.u32 v18, v17;
	v18 =	vld.idx.msk [tilespmem:v22+s4+$0x0], $0xffff  }
0x43: {  	v19 =	vand.u32 $0xFFFFE000, v11;
	v28 =	vand.u32 $0x380, v14;
	v22 =	vadd.s32 v8, v15;
	v15 =	vld [tilespmem:s30+$0x10]  }
0x44: {  	v27 =	vld [tilespmem:s30+$0x0];
	v14 =	vshll.u32 v23, $0xA;
	v12 =	vadd.f32 v12, v13;
	v62 =	vand.u32 $0x380, v26  }
0x45: {  	v14 =	vand.u32 $0xFFFFE000, v14;
	v11 =	vor.u32 v2, v17;
	v17 =	vshll.u32 v23, $0x7;
	v23 =	vld.idx.msk [tilespmem:v24+s4+$0x0], $0xffff  }
0x46: {  	v16 =	vld.idx.msk [tilespmem:v16+s4+$0x0], $0xffff;
	v13 =	vor.u32 v19, v8;
	v19 =	vadd.s32 v8, v14;
	v21 =	vadd.f32 v21, v12  }
0x47: {  	v14 =	vld [tilespmem:s30+$0x20];
	v13 =	vor.u32 v62, v13;
	v22 =	vor.u32 v28, v22;
	v17 =	vand.u32 $0x380, v17  }
0x48: {  	v12 =	vor.u32 v17, v19;
	v18 =	vadd.f32 v18, v21;
	v21 =	vshll.u32 v15, $0xA  }
0x49: {  	v19 =	vshll.u32 v27, $0xA;
	v15 =	vshll.u32 v15, $0x7;
	v21 =	vand.u32 $0xFFFFE000, v21  }
0x4a: {  	v23 =	vadd.f32 v23, v18;
	v18 =	vor.u32 v0, v13;
	v13 =	vand.u32 $0x380, v15;
	v15 =	vld.idx.msk [tilespmem:v20+s4+$0x0], $0xffff  }
0x4b: {  	v17 =	vshll.u32 v27, $0x7;
	v12 =	vor.u32 v3, v12;
	v21 =	vadd.s32 v8, v21  }
0x4c: {  	v63 =	vshll.u32 v14, $0xA;
	v13 =	vor.u32 v13, v21;
	v21 =	vadd.f32 v16, v23;
	v16 =	vld.idx.msk [tilespmem:v25+s4+$0x0], $0xffff  }
0x4d: {  	v17 =	vand.u32 $0x380, v17;
	v19 =	vand.u32 $0xFFFFE000, v19;
	v20 =	vand.u32 $0xFFFFE000, v63  }
0x4e: {  	s28 =	simm.s32 $0xC140;
	s26 =	simm.s32 $0x100;
	s25 =	simm.s32 $0x8;
	v19 =	vadd.s32 v8, v19;
	v20 =	vadd.s32 v8, v20;
	v13 =	vor.u32 v5, v13  }
.LBB2_3:
0x4f: {  	v23 =	vmov s26;
	v24 =	vld [tilespmem:s28+$0xFFFFFFE0];
	s25 =	sadd.s32 $0x8, s25;
	v17 =	vor.u32 v17, v19;
	v15 =	vadd.f32 v15, v21  }
0x50: {  	v22 =	vor.u32 v1, v22;
	v19 =	vshrl.u32 v23, $0x7;
	v21 =	vld [tilespmem:s28+$0x30];
	p0 =	slt.u32 s25, $0x38;
	v17 =	vor.u32 v4, v17  }
0x51: {  	v14 =	vshll.u32 v14, $0x7;
	v10 =	vand.u32 $0xFFFFE000, v10;
	v23 =	vld [tilespmem:s28+$0xFFFFFFD0];
	v15 =	vadd.f32 v16, v15  }
0x52: {  	v9 =	vand.u32 $0x380, v9;
	v14 =	vand.u32 $0x380, v14;
	v8 =	vadd.s32 v8, v10;
	v16 =	vld.idx.msk [tilespmem:v18+s4+$0x0], $0xffff  }
0x53: {  	v10 =	vshll.u32 v19, $0xA;
	v14 =	vor.u32 v14, v20;
	v9 =	vor.u32 v9, v8;
	v18 =	vld [tilespmem:s28+$0xFFFFFFC0]  }
0x54: {  	v8 =	vbroadcast v10, $0x0;
	v20 =	vor.u32 v6, v14;
	v25 =	vor.u32 v7, v9;
	v19 =	vld.idx.msk [tilespmem:v11+s4+$0x0], $0xffff  }
0x55: {  	v10 =	vshll.u32 v21, $0xA;
	v9 =	vshll.u32 v21, $0x7;
	v14 =	vld.idx.msk [tilespmem:v22+s4+$0x0], $0xffff  }
0x56: {  	v21 =	vshll.u32 v24, $0xA;
	v22 =	vshll.u32 v24, $0x7;
	v11 =	vshll.u32 v23, $0xA;
	v24 =	vld [tilespmem:s28+$0xFFFFFFF0]  }
0x57: {  	v21 =	vand.u32 $0xFFFFE000, v21;
	v22 =	vand.u32 $0x380, v22;
	v11 =	vand.u32 $0xFFFFE000, v11;
	v26 =	vld.idx.msk [tilespmem:v12+s4+$0x0], $0xffff  }
0x58: {  	v21 =	vadd.s32 v8, v21;
	v15 =	vadd.f32 v16, v15;
	v12 =	vshll.u32 v18, $0x7;
	v27 =	vld [tilespmem:s28+$0x0]  }
0x59: {  	v16 =	vshll.u32 v18, $0xA;
	v18 =	vshll.u32 v23, $0x7;
	v21 =	vor.u32 v22, v21  }
0x5a: {  	v22 =	vadd.s32 v8, v11;
	v16 =	vand.u32 $0xFFFFE000, v16;
	v23 =	vand.u32 $0x380, v18;
	v18 =	vld.idx.msk [tilespmem:v17+s4+$0x0], $0xffff  }
0x5b: {  	v11 =	vor.u32 v2, v21;
	v15 =	vadd.f32 v14, v15;
	v17 =	vshll.u32 v24, $0xA;
	v21 =	vld [tilespmem:s28+$0x10]  }
0x5c: {  	v16 =	vor.u32 v16, v8;
	v14 =	vand.u32 $0xFFFFE000, v17;
	v17 =	vshll.u32 v24, $0x7;
	v13 =	vld.idx.msk [tilespmem:v13+s4+$0x0], $0xffff  }
0x5d: {  	v19 =	vadd.f32 v19, v15;
	v24 =	vadd.s32 v8, v14;
	v17 =	vand.u32 $0x380, v17;
	v14 =	vld [tilespmem:s28+$0x20]  }
0x5e: {  	v28 =	vand.u32 $0x380, v12;
	v12 =	vor.u32 v17, v24;
	v24 =	vshll.u32 v27, $0xA;
	v15 =	vld.idx.msk [tilespmem:v20+s4+$0x0], $0xffff  }
0x5f: {  	v17 =	vshll.u32 v27, $0x7;
	v20 =	vadd.f32 v26, v19;
	v12 =	vor.u32 v3, v12  }
0x60: {  	v26 =	vor.u32 v28, v16;
	v17 =	vand.u32 $0x380, v17;
	v16 =	vshll.u32 v21, $0xA  }
.Ltmp2:
0x61: {  	v19 =	vand.u32 $0xFFFFE000, v24;
	v21 =	vshll.u32 v21, $0x7;
	v16 =	vand.u32 $0xFFFFE000, v16;
	(pc) =	sbr.rel @p0 .LBB2_3-.Ltmp2, $4  }
0x62: {  	v19 =	vadd.s32 v8, v19;
	v20 =	vadd.f32 v18, v20;
	v24 =	vadd.s32 v8, v16;
	v16 =	vld.idx.msk [tilespmem:v25+s4+$0x0], $0xffff  }
0x63: {  	v18 =	vor.u32 v0, v26;
	v21 =	vand.u32 $0x380, v21;
	v25 =	vshll.u32 v14, $0xA  }
0x64: {  	v24 =	vor.u32 v21, v24;
	v25 =	vand.u32 $0xFFFFE000, v25;
	v21 =	vadd.f32 v13, v20  }
0x65: {  	s26 =	sadd.s32 $0x80, s26;
	v22 =	vor.u32 v23, v22;
	s28 =	sadd.s32 $0x80, s28;
	v13 =	vor.u32 v5, v24;
	v20 =	vadd.s32 v8, v25  }
0x66: {  	_ =	sdelay $0x1  }
0x67: {  	v22 =	vor.u32 v1, v22;
	v17 =	vor.u32 v17, v19;
	v14 =	vshll.u32 v14, $0x7  }
0x68: {  	v10 =	vand.u32 $0xFFFFE000, v10;
	v9 =	vand.u32 $0x380, v9;
	v14 =	vand.u32 $0x380, v14  }
0x69: {  	v18 =	vld.idx.msk [tilespmem:v18+s4+$0x0], $0xffff;
	v17 =	vor.u32 v4, v17;
	v8 =	vadd.s32 v8, v10;
	v10 =	vor.u32 v14, v20  }
0x6a: {  	v12 =	vld.idx.msk [tilespmem:v12+s4+$0x0], $0xffff;
	v8 =	vor.u32 v9, v8;
	v10 =	vor.u32 v6, v10  }
0x6b: {  	v13 =	vld.idx.msk [tilespmem:v13+s4+$0x0], $0xffff;
	v8 =	vor.u32 v7, v8  }
0x6c: {  	v9 =	vld.idx.msk [tilespmem:v11+s4+$0x0], $0xffff  }
0x6d: {  	s25 =	sshll.u32 s24, $0xB;
	p0 =	seq.s32 s24, $0xA;
	v15 =	vadd.f32 v15, v21;
	v11 =	vld.idx.msk [tilespmem:v22+s4+$0x0], $0xffff  }
0x6e: {  	s26 =	sadd.s32 @!p0 s25, s9;
	s29 =	simm.s32 @!p0 $0x2000;
	s30 =	simm.s32 @!p0 $0x800000;
	v14 =	vld.idx.msk [tilespmem:v17+s4+$0x0], $0xffff  }
0x6f: {  	s31 =	simm.s32 @!p0 $0x0;
	s28 =	sadd.s32 @!p0 s3, s26;
	v15 =	vadd.f32 v16, v15;
	s26 =	sshrl.u32 @!p0 s26, $0x3;
	v10 =	vld.idx.msk [tilespmem:v10+s4+$0x0], $0xffff  }
0x70: {  	v8 =	vld.idx.msk [tilespmem:v8+s4+$0x0], $0xffff;
	[tilespmem:s31], [sflag:$0x1] =	stream.strided.gather @!p0 [hbm4b:s28+s29], $0x6000, s30, s29, $0x38  }
0x71: {  	s26 =	sadd.s32 @!p0 s1, s26;
	v15 =	vadd.f32 v18, v15;
	s28 =	simm.s32 @!p0 $0xC000  }
0x72: {  	[tilespmem:s28], [sflag:$0x3] =	stream.linear.gather @!p0 [hbm4b:s26+s31], $0x400, $0x38;
	[tilespmem:$0xC800] =	vst v63  }
0x73: {  	v11 =	vadd.f32 v11, v15;
	_ =	swait.ge [sflag:s20], $0x6000  }
0x74: {  	[sflag:s20] =	ssyncset.done $0x0  }
0x75: {  	v9 =	vadd.f32 v9, v11;
	[sflag:s20] =	ssyncadd.s32 $0xFFFFA000  }
0x76: {  	_ =	swait.ge [sflag:s21], $0x400  }
0x77: {  	v9 =	vadd.f32 v12, v9;
	[sflag:s21] =	ssyncset.done $0x0  }
0x78: {  	s30 =	simm.s32 $0xC440;
	[sflag:s21] =	ssyncadd.s32 $0xFFFFFC00  }
0x79: {  	v9 =	vadd.f32 v14, v9;
	v11 =	vld [tilespmem:s30+$0xFFFFFFE0]  }
0x7a: {  	v12 =	vld [tilespmem:s30+$0x30]  }
0x7b: {  	s31 =	simm.s32 $0xC4C0;
	v14 =	vld [tilespmem:s30+$0xFFFFFFC0];
	v9 =	vadd.f32 v13, v9  }
0x7c: {  	s28 =	simm.s32 $0x0;
	v24 =	vld [tilespmem:s31+$0xFFFFFFC0]  }
0x7d: {  	v13 =	vld [tilespmem:s30+$0xFFFFFFD0];
	v9 =	vadd.f32 v10, v9;
	v10 =	vmov s28  }
0x7e: {  	v10 =	vshrl.u32 v10, $0x7  }
0x7f: {  	v15 =	vadd.f32 v8, v9;
	v8 =	vshll.u32 v10, $0xA  }
0x80: {  	v9 =	vshll.u32 v12, $0xA;
	v10 =	vshll.u32 v12, $0x7;
	v17 =	vshll.u32 v11, $0xA  }
0x81: {  	v11 =	vshll.u32 v11, $0x7;
	v18 =	vshll.u32 v14, $0x7;
	v14 =	vshll.u32 v14, $0xA  }
0x82: {  	v12 =	vld [tilespmem:s30+$0xFFFFFFF0];
	v27 =	vshll.u32 v24, $0x7;
	v8 =	vbroadcast v8, $0x0;
	v16 =	vshll.u32 v13, $0xA  }
0x83: {  	v17 =	vand.u32 $0xFFFFE000, v17;
	v11 =	vand.u32 $0x380, v11;
	v13 =	vshll.u32 v13, $0x7  }
0x84: {  	v14 =	vand.u32 $0xFFFFE000, v14;
	v18 =	vand.u32 $0x380, v18;
	v9 =	vand.u32 $0xFFFFE000, v9  }
0x85: {  	v60 =	vand.u32 $0x380, v27;
	v16 =	vand.u32 $0xFFFFE000, v16;
	v13 =	vand.u32 $0x380, v13  }
0x86: {  	v19 =	vld [tilespmem:s30+$0x0];
	v17 =	vadd.s32 v8, v17;
	v16 =	vadd.s32 v8, v16;
	v14 =	vor.u32 v14, v8  }
0x87: {  	v11 =	vor.u32 v11, v17;
	v17 =	vld [tilespmem:s30+$0x10];
	v14 =	vor.u32 v18, v14;
	v20 =	vshll.u32 v12, $0xA  }
0x88: {  	v13 =	vor.u32 v13, v16;
	v12 =	vshll.u32 v12, $0x7;
	v20 =	vand.u32 $0xFFFFE000, v20  }
0x89: {  	v21 =	vld [tilespmem:s30+$0x20];
	v11 =	vor.u32 v2, v11;
	v12 =	vand.u32 $0x380, v12;
	v20 =	vadd.s32 v8, v20  }
0x8a: {  	v14 =	vor.u32 v0, v14;
	v13 =	vor.u32 v1, v13;
	v12 =	vor.u32 v12, v20  }
0x8b: {  	v20 =	vshll.u32 v19, $0xA;
	v19 =	vshll.u32 v19, $0x7;
	v12 =	vor.u32 v3, v12  }
0x8c: {  	v22 =	vshll.u32 v17, $0xA;
	v18 =	vand.u32 $0x380, v19;
	v17 =	vshll.u32 v17, $0x7  }
0x8d: {  	v20 =	vand.u32 $0xFFFFE000, v20;
	v19 =	vand.u32 $0xFFFFE000, v22;
	v17 =	vand.u32 $0x380, v17  }
0x8e: {  	v23 =	vld [tilespmem:s31+$0xFFFFFFD0];
	v22 =	vshll.u32 v21, $0xA;
	v20 =	vadd.s32 v8, v20;
	v21 =	vshll.u32 v21, $0x7  }
0x8f: {  	s28 =	simm.s32 $0x80;
	v14 =	vld.idx.msk [tilespmem:v14+s16+$0x0], $0xffff;
	v19 =	vadd.s32 v8, v19;
	v18 =	vor.u32 v18, v20;
	v21 =	vand.u32 $0x380, v21  }
0x90: {  	v20 =	vld [tilespmem:s31+$0x30];
	v17 =	vor.u32 v17, v19;
	v19 =	vand.u32 $0xFFFFE000, v22;
	v22 =	vmov s28  }
0x91: {  	v18 =	vor.u32 v4, v18;
	v16 =	vor.u32 v5, v17;
	v17 =	vadd.s32 v8, v19;
	v19 =	vld [tilespmem:s31+$0xFFFFFFE0]  }
0x92: {  	v22 =	vshrl.u32 v22, $0x7;
	v8 =	vadd.s32 v8, v9;
	v9 =	vand.u32 $0x380, v10  }
0x93: {  	v10 =	vshll.u32 v22, $0xA;
	v17 =	vor.u32 v21, v17;
	v9 =	vor.u32 v9, v8  }
0x94: {  	v25 =	vld [tilespmem:s31+$0xFFFFFFF0];
	v8 =	vbroadcast v10, $0x0;
	v21 =	vor.u32 v6, v17;
	v22 =	vor.u32 v7, v9  }
0x95: {  	v13 =	vld.idx.msk [tilespmem:v13+s16+$0x0], $0xffff;
	v17 =	vshll.u32 v23, $0xA;
	v14 =	vadd.f32 v14, v15;
	v23 =	vshll.u32 v23, $0x7  }
0x96: {  	v10 =	vshll.u32 v20, $0xA;
	v9 =	vshll.u32 v20, $0x7;
	v20 =	vshll.u32 v19, $0xA  }
0x97: {  	v26 =	vld.idx.msk [tilespmem:v11+s16+$0x0], $0xffff;
	v17 =	vand.u32 $0xFFFFE000, v17;
	v19 =	vshll.u32 v19, $0x7;
	v20 =	vand.u32 $0xFFFFE000, v20  }
0x98: {  	v15 =	vld [tilespmem:s31+$0x0];
	v23 =	vand.u32 $0x380, v23;
	v19 =	vand.u32 $0x380, v19;
	v11 =	vadd.s32 v8, v20  }
0x99: {  	v59 =	vadd.s32 v8, v17;
	v20 =	vshll.u32 v24, $0xA;
	v11 =	vor.u32 v19, v11;
	v19 =	vld.idx.msk [tilespmem:v12+s16+$0x0], $0xffff  }
0x9a: {  	v17 =	vshll.u32 v25, $0xA;
	v13 =	vadd.f32 v13, v14;
	v12 =	vand.u32 $0xFFFFE000, v20;
	v20 =	vld [tilespmem:s31+$0x10]  }
0x9b: {  	v14 =	vshll.u32 v25, $0x7;
	v28 =	vor.u32 v12, v8;
	v12 =	vand.u32 $0xFFFFE000, v17;
	v17 =	vld.idx.msk [tilespmem:v18+s16+$0x0], $0xffff  }
0x9c: {  	v61 =	vld.idx.msk [tilespmem:v16+s16+$0x0], $0xffff;
	v13 =	vadd.f32 v26, v13;
	v18 =	vand.u32 $0x380, v14;
	v12 =	vadd.s32 v8, v12  }
0x9d: {  	v11 =	vor.u32 v2, v11;
	v14 =	vld [tilespmem:s31+$0x20];
	v16 =	vor.u32 v60, v28;
	v12 =	vor.u32 v18, v12  }
0x9e: {  	v18 =	vshll.u32 v15, $0xA;
	v15 =	vshll.u32 v15, $0x7;
	v13 =	vadd.f32 v19, v13  }
0x9f: {  	v18 =	vand.u32 $0xFFFFE000, v18;
	v19 =	vshll.u32 v20, $0xA;
	v62 =	vshll.u32 v20, $0x7  }
0xa0: {  	v19 =	vand.u32 $0xFFFFE000, v19;
	v13 =	vadd.f32 v17, v13;
	v17 =	vor.u32 v0, v16;
	v16 =	vld.idx.msk [tilespmem:v21+s16+$0x0], $0xffff  }
0xa1: {  	v20 =	vadd.s32 v8, v18;
	v18 =	vadd.s32 v8, v19;
	v19 =	vand.u32 $0x380, v62  }
0xa2: {  	v12 =	vor.u32 v3, v12;
	v63 =	vshll.u32 v14, $0xA;
	v18 =	vor.u32 v19, v18;
	v19 =	vld.idx.msk [tilespmem:v22+s16+$0x0], $0xffff  }
0xa3: {  	v15 =	vand.u32 $0x380, v15;
	v25 =	vand.u32 $0xFFFFE000, v63;
	v21 =	vadd.f32 v61, v13  }
0xa4: {  	s29 =	simm.s32 $0xC540;
	s26 =	simm.s32 $0x8;
	s28 =	simm.s32 $0x100;
	v22 =	vor.u32 v23, v59;
	v13 =	vor.u32 v5, v18;
	v18 =	vadd.s32 v8, v25  }
.LBB2_5:
0xa5: {  	v23 =	vmov s28;
	v24 =	vld [tilespmem:s29+$0xFFFFFFE0];
	s26 =	sadd.s32 $0x8, s26;
	v15 =	vor.u32 v15, v20;
	v16 =	vadd.f32 v16, v21  }
0xa6: {  	v22 =	vor.u32 v1, v22;
	v20 =	vshrl.u32 v23, $0x7;
	v21 =	vld [tilespmem:s29+$0x30];
	p1 =	slt.u32 s26, $0x38;
	v15 =	vor.u32 v4, v15  }
0xa7: {  	v14 =	vshll.u32 v14, $0x7;
	v10 =	vand.u32 $0xFFFFE000, v10;
	v23 =	vld [tilespmem:s29+$0xFFFFFFD0];
	v16 =	vadd.f32 v19, v16  }
0xa8: {  	v9 =	vand.u32 $0x380, v9;
	v14 =	vand.u32 $0x380, v14;
	v8 =	vadd.s32 v8, v10;
	v17 =	vld.idx.msk [tilespmem:v17+s16+$0x0], $0xffff  }
0xa9: {  	v10 =	vshll.u32 v20, $0xA;
	v14 =	vor.u32 v14, v18;
	v9 =	vor.u32 v9, v8;
	v19 =	vld [tilespmem:s29+$0xFFFFFFC0]  }
0xaa: {  	v8 =	vbroadcast v10, $0x0;
	v20 =	vor.u32 v6, v14;
	v25 =	vor.u32 v7, v9;
	v18 =	vld.idx.msk [tilespmem:v11+s16+$0x0], $0xffff  }
0xab: {  	v10 =	vshll.u32 v21, $0xA;
	v9 =	vshll.u32 v21, $0x7;
	v14 =	vld.idx.msk [tilespmem:v22+s16+$0x0], $0xffff  }
0xac: {  	v21 =	vshll.u32 v24, $0xA;
	v22 =	vshll.u32 v24, $0x7;
	v11 =	vshll.u32 v23, $0xA;
	v24 =	vld [tilespmem:s29+$0xFFFFFFF0]  }
0xad: {  	v21 =	vand.u32 $0xFFFFE000, v21;
	v22 =	vand.u32 $0x380, v22;
	v11 =	vand.u32 $0xFFFFE000, v11;
	v26 =	vld.idx.msk [tilespmem:v12+s16+$0x0], $0xffff  }
0xae: {  	v21 =	vadd.s32 v8, v21;
	v16 =	vadd.f32 v17, v16;
	v12 =	vshll.u32 v19, $0x7;
	v27 =	vld [tilespmem:s29+$0x0]  }
0xaf: {  	v17 =	vshll.u32 v19, $0xA;
	v19 =	vshll.u32 v23, $0x7;
	v21 =	vor.u32 v22, v21  }
0xb0: {  	v22 =	vadd.s32 v8, v11;
	v17 =	vand.u32 $0xFFFFE000, v17;
	v23 =	vand.u32 $0x380, v19;
	v19 =	vld.idx.msk [tilespmem:v15+s16+$0x0], $0xffff  }
0xb1: {  	v11 =	vor.u32 v2, v21;
	v16 =	vadd.f32 v14, v16;
	v15 =	vshll.u32 v24, $0xA;
	v21 =	vld [tilespmem:s29+$0x10]  }
0xb2: {  	v17 =	vor.u32 v17, v8;
	v14 =	vand.u32 $0xFFFFE000, v15;
	v15 =	vshll.u32 v24, $0x7;
	v13 =	vld.idx.msk [tilespmem:v13+s16+$0x0], $0xffff  }
0xb3: {  	v18 =	vadd.f32 v18, v16;
	v24 =	vadd.s32 v8, v14;
	v15 =	vand.u32 $0x380, v15;
	v14 =	vld [tilespmem:s29+$0x20]  }
0xb4: {  	v28 =	vand.u32 $0x380, v12;
	v12 =	vor.u32 v15, v24;
	v24 =	vshll.u32 v27, $0xA;
	v16 =	vld.idx.msk [tilespmem:v20+s16+$0x0], $0xffff  }
0xb5: {  	v15 =	vshll.u32 v27, $0x7;
	v18 =	vadd.f32 v26, v18;
	v12 =	vor.u32 v3, v12  }
0xb6: {  	v17 =	vor.u32 v28, v17;
	v15 =	vand.u32 $0x380, v15;
	v20 =	vshll.u32 v21, $0xA  }
.Ltmp3:
0xb7: {  	v24 =	vand.u32 $0xFFFFE000, v24;
	v21 =	vshll.u32 v21, $0x7;
	v26 =	vand.u32 $0xFFFFE000, v20;
	(pc) =	sbr.rel @p1 .LBB2_5-.Ltmp3, $4  }
0xb8: {  	v18 =	vadd.f32 v19, v18;
	v20 =	vadd.s32 v8, v24;
	v24 =	vadd.s32 v8, v26;
	v19 =	vld.idx.msk [tilespmem:v25+s16+$0x0], $0xffff  }
0xb9: {  	v17 =	vor.u32 v0, v17;
	v21 =	vand.u32 $0x380, v21;
	v25 =	vshll.u32 v14, $0xA  }
0xba: {  	v24 =	vor.u32 v21, v24;
	v25 =	vand.u32 $0xFFFFE000, v25;
	v21 =	vadd.f32 v13, v18  }
0xbb: {  	s28 =	sadd.s32 $0x80, s28;
	v22 =	vor.u32 v23, v22;
	s29 =	sadd.s32 $0x80, s29;
	v13 =	vor.u32 v5, v24;
	v18 =	vadd.s32 v8, v25  }
0xbc: {  	_ = 	snop  }
0xbd: {  	v22 =	vor.u32 v1, v22;
	_ =	sdelay $0x2  }
0xbe: {  	v17 =	vld.idx.msk [tilespmem:v17+s16+$0x0], $0xffff  }
0xbf: {  	v16 =	vadd.f32 v16, v21  }
0xc0: {  	v15 =	vor.u32 v15, v20;
	v62 =	vld.idx.msk [tilespmem:v22+s16+$0x0], $0xffff  }
0xc1: {  	v15 =	vor.u32 v4, v15;
	v16 =	vadd.f32 v19, v16  }
0xc2: {  	v14 =	vshll.u32 v14, $0x7;
	v11 =	vld.idx.msk [tilespmem:v11+s16+$0x0], $0xffff  }
0xc3: {  	v10 =	vand.u32 $0xFFFFE000, v10;
	v14 =	vand.u32 $0x380, v14;
	v16 =	vadd.f32 v17, v16  }
0xc4: {  	v12 =	vld.idx.msk [tilespmem:v12+s16+$0x0], $0xffff;
	v8 =	vadd.s32 v8, v10;
	v10 =	vor.u32 v14, v18  }
0xc5: {  	v9 =	vand.u32 $0x380, v9;
	v10 =	vor.u32 v6, v10;
	v63 =	vadd.f32 v62, v16  }
0xc6: {  	v8 =	vor.u32 v9, v8;
	v9 =	vld.idx.msk [tilespmem:v15+s16+$0x0], $0xffff  }
0xc7: {  	v8 =	vor.u32 v7, v8;
	v11 =	vadd.f32 v11, v63  }
0xc8: {  	v13 =	vld.idx.msk [tilespmem:v13+s16+$0x0], $0xffff  }
0xc9: {  	v11 =	vadd.f32 v12, v11  }
0xca: {  	v10 =	vld.idx.msk [tilespmem:v10+s16+$0x0], $0xffff  }
0xcb: {  	v9 =	vadd.f32 v9, v11  }
0xcc: {  	v8 =	vld.idx.msk [tilespmem:v8+s16+$0x0], $0xffff  }
.Ltmp4:
0xcd: {  	v9 =	vadd.f32 v13, v9;
	(pc) =	sbr.rel @p0 .LBB2_8-.Ltmp4, $3  }
0xce: {  	_ = 	snop  }
0xcf: {  	v9 =	vadd.f32 v10, v9;
	_ =	sdelay $0x1  }
0xd0: {  	v11 =	vadd.f32 v8, v9  }
.Ltmp5:
0xd1: {  	s25 =	sadd.s32 s25, s10;
	(pc) =	sbr.rel .LBB2_2-.Ltmp5, $4  }
0xd2: {  	s26 =	sadd.s32 s3, s25;
	s25 =	sshrl.u32 s25, $0x3  }
0xd3: {  	[tilespmem:s16], [sflag:$0x2] =	stream.strided.gather [hbm4b:s26+s13], $0x6000, s14, s13, $0x38;
	[tilespmem:$0xC800] =	vst v63  }
0xd4: {  	s24 =	sadd.s32 $0x1, s24;
	s25 =	sadd.s32 s1, s25  }
0xd5: {  	[tilespmem:s17], [sflag:$0x4] =	stream.linear.gather [hbm4b:s25+s4], $0x400, $0x38;
	[tilespmem:$0xC800] =	vst v63  }
.LBB2_9:
0xd6: {  	_ =	sfence.sel $0x180000  }
0xd7: {  	[bflag:$0x0] =	sbarrier.arrive $0xFFFF  }
0xd8: {  	p0 =	sne.s32 s0, $0x0;
	_ =	strace $0x90000047  }
0xd9: {  	s0 =	sadd.s32 @!p0 $0x100000, s2;
	[bflag:$0x2] =	sbarrier.arrive $0xFFFF  }
0xda: {  	[sflag:s0] =	ssyncadd.tile.s32 @!p0 $0x1;
	_ =	shalt  }
.Lfunc_end2:
_tile_overlayer_lowered:
.L_overlay_start_2:
0xdb: {  	(tag) =	ssettag $0x2  }
0xdc: {  	s0 =	rddreg [dreg:$0x0];
	s2 =	stileid.u32  }
0xdd: {  	s1 =	rddreg [dreg:$0x1];
	p0 =	sne.s32 s2, $0x0  }
0xde: {  	s3 =	rddreg [dreg:$0x2];
	[bflag:$0x3] =	sbarrier.arrive $0xFFFF;
	s2 =	simm.s32 @!p0 $0x1C05  }
0xdf: {  	[timem:s3], [sflag:s2] =	dma.local @!p0 [hbm:s0], s1  }
0xe0: {  	s0 =	simm.s32 @!p0 $0x5  }
0xe1: {  	_ =	swait.ge @!p0 [sflag:s0], s1  }
0xe2: {  	s1 =	ssub.s32 @!p0 $0x0, s1;
	[sflag:s0] =	ssyncset.done @!p0 $0x0  }
0xe3: {  	[sflag:s0] =	ssyncadd.s32 @!p0 s1  }
0xe4: {  	[bflag:$0x3] =	sbarrier.arrive $0xFFFF  }
0xe5: {  	_ =	shalt  }

</sc_bundles>
